<compile_context>
chip_gen: v7x
topology: tpu7x:2x2x1
jax: 0.10.2.dev20260603
libtpu: 0.0.44.dev20260713+nightly
codegen_flags: <defaults>
</compile_context>

<pallas_src>
import functools

import jax
import jax.numpy as jnp
from jax import lax
from jax.experimental import pallas as pl
from jax.experimental.pallas import tpu as pltpu
from jax.experimental.pallas import tpu_sc as plsc

N_ATOMS = 32768
N_SPECIES = 119
EMBED_DIM = 64
NUM_EXPERTS = 64
TBL = 128

NC, NS = 2, 16
NW = NC * NS
BPW = N_ATOMS // NW
CH = 128
NCH = BPW // CH
NBUF = 3
LANES = 16
NG = NUM_EXPERTS // LANES


def _table_body(emb_ref, w_ref, out_ref):
    x = emb_ref[...]
    x = jnp.pad(x, ((0, TBL - N_SPECIES), (0, 0)))
    u = x * (1.0 / (1.0 + jnp.exp(-x)))
    logits = lax.dot_general(
        u, w_ref[...], (((1,), (1,)), ((), ())),
        preferred_element_type=jnp.float32)
    logits = jnp.pad(logits, ((0, 0), (0, TBL - NUM_EXPERTS)),
                     constant_values=-jnp.inf)
    m = jnp.max(logits, axis=-1, keepdims=True)
    e = jnp.exp(logits - m)
    out_ref[...] = e / jnp.sum(e, axis=-1, keepdims=True)


_table_call = pl.pallas_call(
    _table_body,
    out_shape=jax.ShapeDtypeStruct((TBL, TBL), jnp.float32),
)


@functools.cache
def _gather_rows_call():
    mesh = plsc.VectorSubcoreMesh(core_axis_name="c", subcore_axis_name="s")

    @functools.partial(
        pl.kernel,
        mesh=mesh,
        out_type=jax.ShapeDtypeStruct((N_ATOMS, NUM_EXPERTS), jnp.float32),
        scratch_types=[
            pltpu.VMEM_SHARED((TBL, TBL), jnp.float32),
            pltpu.VMEM((BPW,), jnp.int32),
            pltpu.VMEM((NBUF, CH, TBL), jnp.float32),
            pltpu.VMEM((NBUF + 1, CH, NUM_EXPERTS), jnp.float32),
            pltpu.SemaphoreType.DMA((NBUF,)),
            pltpu.SemaphoreType.DMA((NBUF + 1,)),
        ],
        compiler_params=pltpu.CompilerParams(
            disable_bounds_checks=True,
            disable_semaphore_checks=True,
            skip_device_barrier=True,
        ),
    )
    def _gather_rows(table_hbm, idx_hbm, out_hbm, tbl_sp, idx_v, buf, bufo,
                     sem_g, sem_o):
        cid = lax.axis_index("c")
        sid = lax.axis_index("s")
        wid = sid * NC + cid
        base = wid * BPW
        @pl.when(sid == 0)
        def _():
            pltpu.sync_copy(table_hbm, tbl_sp)
        pltpu.sync_copy(idx_hbm.at[pl.ds(base, BPW)], idx_v)
        plsc.subcore_barrier()

        NO = NBUF + 1

        def repack(b, bo):
            def row(r, carry):
                for c in range(NG):
                    bufo[bo, r, pl.ds(c * LANES, LANES)] = (
                        buf[b, r, pl.ds(c * LANES, LANES)])
                return carry
            lax.fori_loop(0, CH, row, 0)

        gathers = [None] * NCH
        outs = [None] * NCH
        for j in range(min(2, NCH)):
            gathers[j] = pltpu.async_copy(
                tbl_sp.at[idx_v.at[pl.ds(j * CH, CH)]],
                buf.at[j % NBUF], sem_g.at[j % NBUF])
        for j in range(NCH):
            b = j % NBUF
            bo = j % NO
            if j + 2 < NCH:
                nb = (j + 2) % NBUF
                gathers[j + 2] = pltpu.async_copy(
                    tbl_sp.at[idx_v.at[pl.ds((j + 2) * CH, CH)]],
                    buf.at[nb], sem_g.at[nb])
            gathers[j].wait()
            if j >= NO:
                outs[j - NO].wait()
            repack(b, bo)
            outs[j] = pltpu.async_copy(
                bufo.at[bo],
                out_hbm.at[pl.ds(base + j * CH, CH)],
                sem_o.at[bo])
        for j in range(NCH - NO, NCH):
            outs[j].wait()

    return _gather_rows


def kernel(species_idx, emb_table, W_e):
    table = _table_call(emb_table, W_e)
    return _gather_rows_call()(table, species_idx.astype(jnp.int32))

# --- scband reference (transcript-rebuilt; emitter-appended) ---
"""Pipeline reference for scband-zelement-router-49950469652579 (READ-ONLY COPY).

The authoritative reference and input builder live on the scoring server;
editing this copy changes nothing except your own understanding.
"""

import jax, jax.numpy as jnp
import numpy as np

N_ATOMS = 32768
N_SPECIES = 119
EMBED_DIM = 64
NUM_EXPERTS = 64


def setup_inputs(seed: int = 0) -> dict:
    key = jax.random.key(seed)
    k1, k2, k3 = jax.random.split(key, 3)
    species_idx = jax.random.randint(k1, (N_ATOMS,), 0, N_SPECIES, dtype=jnp.int64 if jax.config.jax_enable_x64 else jnp.int32)
    # Embedding table: default torch init N(0, 1)
    emb_table = jax.random.normal(k2, (N_SPECIES, EMBED_DIM), dtype=jnp.float32)
    # Linear(embedding_dim, num_routed_experts, bias=False): weight [I, M], kaiming-uniform-like scale
    bound = 1.0 / np.sqrt(EMBED_DIM)
    W_e = jax.random.uniform(k3, (NUM_EXPERTS, EMBED_DIM), dtype=jnp.float32, minval=-bound, maxval=bound)
    return {"species_idx": species_idx, "emb_table": emb_table, "W_e": W_e}


def reference(species_idx, emb_table, W_e):
    # u_i = SiLU(Embedding(z_i))
    u = jax.nn.silu(jnp.take(emb_table, species_idx, axis=0))  # [n_atoms, M]
    # logits = W_e u  (Linear, no bias) -> [n_atoms, I]
    logits = u @ W_e.T
    return jax.nn.softmax(logits, axis=-1)

if __name__ == "__main__":
    import jax
    _d = setup_inputs()
    print(jax.jit(kernel)(*tuple(_d.values())))

</pallas_src>

<mosaic_0001>
#map = affine_map<(d0, d1) -> (0, 0)>
#map1 = affine_map<(d0, d1) -> (0)>
module attributes {stable_mosaic.version = 14 : i64} {
  func.func @_gather_rows(%arg0: i32, %arg1: i32, %arg2: memref<128x128xf32, #tpu.memory_space<hbm>>, %arg3: memref<32768xi32, #tpu.memory_space<hbm>>, %arg4: memref<32768x64xf32, #tpu.memory_space<hbm>>, %arg5: memref<128x128xf32, #tpu.memory_space<vmem_shared>>, %arg6: memref<1024xi32, #tpu.memory_space<vmem>>, %arg7: memref<3x128x128xf32, #tpu.memory_space<vmem>>, %arg8: memref<4x128x64xf32, #tpu.memory_space<vmem>>, %arg9: memref<3x!tpu.dma_semaphore, #tpu.memory_space<semaphore_mem>>, %arg10: memref<4x!tpu.dma_semaphore, #tpu.memory_space<semaphore_mem>>) attributes {dimension_semantics = [#tpu.dimension_semantics<core_parallel>, #tpu.dimension_semantics<subcore_parallel>], iteration_bounds = array<i64: 2, 16>, scalar_prefetch = 0 : i64, scratch_operands = 6 : i64, tpu.core_type = #tpu.core_type<sc_vector_subcore>, window_params = [{transform_indices = #map}, {transform_indices = #map1}, {transform_indices = #map}]} {
    %mul3A = arith.constant 2 : i32
    %mul3A_0 = arith.muli %arg1, %mul3A : i32
    %add3A = arith.addi %mul3A_0, %arg0 : i32
    %mul3A_1 = arith.constant 1024 : i32
    %mul3A_2 = arith.muli %add3A, %mul3A_1 : i32
    %eq3A = arith.constant 0 : i32
    %eq3A_3 = arith.cmpi eq, %arg1, %eq3A : i32
    %convert_element_type3A = arith.extui %eq3A_3 : i1 to i32
    %cond3A = arith.constant 0 : i32
    %cond3A_4 = arith.cmpi ne, %convert_element_type3A, %cond3A : i32
    scf.if %cond3A_4 {
      "tpu.region"() ({
        %run_scoped3A = tpu.sem_alloc : memref<!tpu.dma_semaphore, #tpu.memory_space<semaphore_mem>>
        tpu.enqueue_dma source(%arg2 : memref<128x128xf32, #tpu.memory_space<hbm>>) target(%arg5 : memref<128x128xf32, #tpu.memory_space<vmem_shared>>) target_semaphore(%run_scoped3A : memref<!tpu.dma_semaphore, #tpu.memory_space<semaphore_mem>>)
        tpu.wait_dma2 semaphore(%run_scoped3A : memref<!tpu.dma_semaphore, #tpu.memory_space<semaphore_mem>>) src(%arg2 : memref<128x128xf32, #tpu.memory_space<hbm>>) dst(%arg5 : memref<128x128xf32, #tpu.memory_space<vmem_shared>>)
        tpu.yield
      }) : () -> ()
    } else {
    }
    "tpu.region"() ({
      %run_scoped3A = tpu.sem_alloc : memref<!tpu.dma_semaphore, #tpu.memory_space<semaphore_mem>>
      %dma_start3A_530 = tpu.memref_slice %arg3[%mul3A_2] : memref<32768xi32, #tpu.memory_space<hbm>> -> memref<1024xi32, #tpu.memory_space<hbm>>
      %dma_start3A_531 = tpu.memref_slice %arg3[%mul3A_2] : memref<32768xi32, #tpu.memory_space<hbm>> -> memref<1024xi32, #tpu.memory_space<hbm>>
      tpu.enqueue_dma source(%dma_start3A_531 : memref<1024xi32, #tpu.memory_space<hbm>>) target(%arg6 : memref<1024xi32, #tpu.memory_space<vmem>>) target_semaphore(%run_scoped3A : memref<!tpu.dma_semaphore, #tpu.memory_space<semaphore_mem>>)
      %dma_wait3A_532 = tpu.memref_slice %arg3[%mul3A_2] : memref<32768xi32, #tpu.memory_space<hbm>> -> memref<1024xi32, #tpu.memory_space<hbm>>
      %dma_wait3A_533 = tpu.memref_slice %arg3[%mul3A_2] : memref<32768xi32, #tpu.memory_space<hbm>> -> memref<1024xi32, #tpu.memory_space<hbm>>
      tpu.wait_dma2 semaphore(%run_scoped3A : memref<!tpu.dma_semaphore, #tpu.memory_space<semaphore_mem>>) src(%dma_wait3A_533 : memref<1024xi32, #tpu.memory_space<hbm>>) dst(%arg6 : memref<1024xi32, #tpu.memory_space<vmem>>)
      tpu.yield
    }) : () -> ()
    %barrier3A = arith.constant 0 : index
    tpu.barrier barrier_id(%barrier3A)
    %dma_start3A = arith.constant 0 : i32
    %dma_start3A_5 = arith.constant 0 : i32
    %dma_start3A_6 = arith.constant 0 : i32
    %dma_start3A_7 = arith.constant 0 : i32
    %dma_start3A_8 = tpu.memref_slice %arg7[%dma_start3A, %dma_start3A_6, %dma_start3A_7] : memref<3x128x128xf32, #tpu.memory_space<vmem>> -> memref<1x128x128xf32, #tpu.memory_space<vmem>>
    %dma_start3A_9 = tpu.memref_squeeze %dma_start3A_8 : memref<1x128x128xf32, #tpu.memory_space<vmem>> -> memref<128x128xf32, #tpu.memory_space<vmem>>
    %dma_start3A_10 = arith.constant 0 : i32
    %dma_start3A_11 = tpu.memref_slice %arg6[%dma_start3A_10] : memref<1024xi32, #tpu.memory_space<vmem>> -> memref<128xi32, #tpu.memory_space<vmem>>
    %dma_start3A_12 = arith.constant 0 : i32
    %dma_start3A_13 = arith.constant 0 : i32
    %dma_start3A_14 = tpu.memref_slice %arg5[%dma_start3A_12, %dma_start3A_13] : memref<128x128xf32, #tpu.memory_space<vmem_shared>> -> memref<128x128xf32, #tpu.memory_space<vmem_shared>>
    %dma_start3A_15 = tpu.memref_slice %arg9[%dma_start3A_5] : memref<3x!tpu.dma_semaphore, #tpu.memory_space<semaphore_mem>> -> memref<1x!tpu.dma_semaphore, #tpu.memory_space<semaphore_mem>>
    %dma_start3A_16 = tpu.memref_squeeze %dma_start3A_15 : memref<1x!tpu.dma_semaphore, #tpu.memory_space<semaphore_mem>> -> memref<!tpu.dma_semaphore, #tpu.memory_space<semaphore_mem>>
    tpu.enqueue_indirect_dma source(%dma_start3A_14 : memref<128x128xf32, #tpu.memory_space<vmem_shared>>) target(%dma_start3A_9 : memref<128x128xf32, #tpu.memory_space<vmem>>) offsets(%dma_start3A_11 : memref<128xi32, #tpu.memory_space<vmem>>) semaphore(%dma_start3A_16 : memref<!tpu.dma_semaphore, #tpu.memory_space<semaphore_mem>>)
    %dma_start3A_17 = arith.constant 1 : i32
    %dma_start3A_18 = arith.constant 1 : i32
    %dma_start3A_19 = arith.constant 0 : i32
    %dma_start3A_20 = arith.constant 0 : i32
    %dma_start3A_21 = tpu.memref_slice %arg7[%dma_start3A_17, %dma_start3A_19, %dma_start3A_20] : memref<3x128x128xf32, #tpu.memory_space<vmem>> -> memref<1x128x128xf32, #tpu.memory_space<vmem>>
    %dma_start3A_22 = tpu.memref_squeeze %dma_start3A_21 : memref<1x128x128xf32, #tpu.memory_space<vmem>> -> memref<128x128xf32, #tpu.memory_space<vmem>>
    %dma_start3A_23 = arith.constant 128 : i32
    %dma_start3A_24 = tpu.memref_slice %arg6[%dma_start3A_23] : memref<1024xi32, #tpu.memory_space<vmem>> -> memref<128xi32, #tpu.memory_space<vmem>>
    %dma_start3A_25 = arith.constant 0 : i32
    %dma_start3A_26 = arith.constant 0 : i32
    %dma_start3A_27 = tpu.memref_slice %arg5[%dma_start3A_25, %dma_start3A_26] : memref<128x128xf32, #tpu.memory_space<vmem_shared>> -> memref<128x128xf32, #tpu.memory_space<vmem_shared>>
    %dma_start3A_28 = tpu.memref_slice %arg9[%dma_start3A_18] : memref<3x!tpu.dma_semaphore, #tpu.memory_space<semaphore_mem>> -> memref<1x!tpu.dma_semaphore, #tpu.memory_space<semaphore_mem>>
    %dma_start3A_29 = tpu.memref_squeeze %dma_start3A_28 : memref<1x!tpu.dma_semaphore, #tpu.memory_space<semaphore_mem>> -> memref<!tpu.dma_semaphore, #tpu.memory_space<semaphore_mem>>
    tpu.enqueue_indirect_dma source(%dma_start3A_27 : memref<128x128xf32, #tpu.memory_space<vmem_shared>>) target(%dma_start3A_22 : memref<128x128xf32, #tpu.memory_space<vmem>>) offsets(%dma_start3A_24 : memref<128xi32, #tpu.memory_space<vmem>>) semaphore(%dma_start3A_29 : memref<!tpu.dma_semaphore, #tpu.memory_space<semaphore_mem>>)
    %dma_start3A_30 = arith.constant 2 : i32
    %dma_start3A_31 = arith.constant 2 : i32
    %dma_start3A_32 = arith.constant 0 : i32
    %dma_start3A_33 = arith.constant 0 : i32
    %dma_start3A_34 = tpu.memref_slice %arg7[%dma_start3A_30, %dma_start3A_32, %dma_start3A_33] : memref<3x128x128xf32, #tpu.memory_space<vmem>> -> memref<1x128x128xf32, #tpu.memory_space<vmem>>
    %dma_start3A_35 = tpu.memref_squeeze %dma_start3A_34 : memref<1x128x128xf32, #tpu.memory_space<vmem>> -> memref<128x128xf32, #tpu.memory_space<vmem>>
    %dma_start3A_36 = arith.constant 256 : i32
    %dma_start3A_37 = tpu.memref_slice %arg6[%dma_start3A_36] : memref<1024xi32, #tpu.memory_space<vmem>> -> memref<128xi32, #tpu.memory_space<vmem>>
    %dma_start3A_38 = arith.constant 0 : i32
    %dma_start3A_39 = arith.constant 0 : i32
    %dma_start3A_40 = tpu.memref_slice %arg5[%dma_start3A_38, %dma_start3A_39] : memref<128x128xf32, #tpu.memory_space<vmem_shared>> -> memref<128x128xf32, #tpu.memory_space<vmem_shared>>
    %dma_start3A_41 = tpu.memref_slice %arg9[%dma_start3A_31] : memref<3x!tpu.dma_semaphore, #tpu.memory_space<semaphore_mem>> -> memref<1x!tpu.dma_semaphore, #tpu.memory_space<semaphore_mem>>
    %dma_start3A_42 = tpu.memref_squeeze %dma_start3A_41 : memref<1x!tpu.dma_semaphore, #tpu.memory_space<semaphore_mem>> -> memref<!tpu.dma_semaphore, #tpu.memory_space<semaphore_mem>>
    tpu.enqueue_indirect_dma source(%dma_start3A_40 : memref<128x128xf32, #tpu.memory_space<vmem_shared>>) target(%dma_start3A_35 : memref<128x128xf32, #tpu.memory_space<vmem>>) offsets(%dma_start3A_37 : memref<128xi32, #tpu.memory_space<vmem>>) semaphore(%dma_start3A_42 : memref<!tpu.dma_semaphore, #tpu.memory_space<semaphore_mem>>)
    %dma_wait3A = arith.constant 0 : i32
    %dma_wait3A_43 = arith.constant 0 : i32
    %dma_wait3A_44 = arith.constant 0 : i32
    %dma_wait3A_45 = arith.constant 0 : i32
    %dma_wait3A_46 = tpu.memref_slice %arg7[%dma_wait3A, %dma_wait3A_44, %dma_wait3A_45] : memref<3x128x128xf32, #tpu.memory_space<vmem>> -> memref<1x128x128xf32, #tpu.memory_space<vmem>>
    %dma_wait3A_47 = tpu.memref_squeeze %dma_wait3A_46 : memref<1x128x128xf32, #tpu.memory_space<vmem>> -> memref<128x128xf32, #tpu.memory_space<vmem>>
    %dma_wait3A_48 = arith.constant 0 : i32
    %dma_wait3A_49 = tpu.memref_slice %arg6[%dma_wait3A_48] : memref<1024xi32, #tpu.memory_space<vmem>> -> memref<128xi32, #tpu.memory_space<vmem>>
    %dma_wait3A_50 = arith.constant 0 : i32
    %dma_wait3A_51 = arith.constant 0 : i32
    %dma_wait3A_52 = tpu.memref_slice %arg5[%dma_wait3A_50, %dma_wait3A_51] : memref<128x128xf32, #tpu.memory_space<vmem_shared>> -> memref<128x128xf32, #tpu.memory_space<vmem_shared>>
    %dma_wait3A_53 = tpu.memref_slice %arg9[%dma_wait3A_43] : memref<3x!tpu.dma_semaphore, #tpu.memory_space<semaphore_mem>> -> memref<1x!tpu.dma_semaphore, #tpu.memory_space<semaphore_mem>>
    %dma_wait3A_54 = tpu.memref_squeeze %dma_wait3A_53 : memref<1x!tpu.dma_semaphore, #tpu.memory_space<semaphore_mem>> -> memref<!tpu.dma_semaphore, #tpu.memory_space<semaphore_mem>>
    tpu.wait_indirect_dma semaphore(%dma_wait3A_54 : memref<!tpu.dma_semaphore, #tpu.memory_space<semaphore_mem>>) src(%dma_wait3A_52 : memref<128x128xf32, #tpu.memory_space<vmem_shared>>) dst(%dma_wait3A_47 : memref<128x128xf32, #tpu.memory_space<vmem>>)
    %scan3A = arith.constant 0 : i32
    %scan3A_55 = arith.constant 0 : i32
    %scan3A_56 = arith.constant 128 : i32
    %scan3A_57 = arith.addi %scan3A_55, %scan3A_56 : i32
    %scan3A_58 = arith.constant 1 : i32
    scf.for %scan3A_530 = %scan3A_55 to %scan3A_57 step %scan3A_58  : i32 {
      %get3A = arith.constant 0 : i32
      %get3A_531 = arith.index_cast %get3A : i32 to index
      %get3A_532 = arith.index_cast %scan3A_530 : i32 to index
      %get3A_533 = arith.constant 0 : index
      %get3A_534 = tpu.vector_load %arg7[%get3A_531, %get3A_532, %get3A_533] {strides = array<i32>} : memref<3x128x128xf32, #tpu.memory_space<vmem>>, vector<1x1x16xf32>,
      %get3A_535 = vector.shape_cast %get3A_534 : vector<1x1x16xf32> to vector<16xf32>
      %swap3A = arith.constant 0 : i32
      %swap3A_536 = arith.index_cast %swap3A : i32 to index
      %swap3A_537 = arith.index_cast %scan3A_530 : i32 to index
      %swap3A_538 = arith.constant 0 : index
      %swap3A_539 = tpu.vector_load %arg8[%swap3A_536, %swap3A_537, %swap3A_538] {strides = array<i32>} : memref<4x128x64xf32, #tpu.memory_space<vmem>>, vector<1x1x16xf32>,
      %swap3A_540 = vector.shape_cast %swap3A_539 : vector<1x1x16xf32> to vector<16xf32>
      %swap3A_541 = vector.shape_cast %get3A_535 : vector<16xf32> to vector<1x1x16xf32>
      tpu.vector_store %arg8[%swap3A_536, %swap3A_537, %swap3A_538], %swap3A_541 {strides = array<i32>} : memref<4x128x64xf32, #tpu.memory_space<vmem>>, vector<1x1x16xf32>,
      %get3A_542 = arith.constant 0 : i32
      %get3A_543 = arith.index_cast %get3A_542 : i32 to index
      %get3A_544 = arith.index_cast %scan3A_530 : i32 to index
      %get3A_545 = arith.constant 16 : index
      %get3A_546 = tpu.vector_load %arg7[%get3A_543, %get3A_544, %get3A_545] {strides = array<i32>} : memref<3x128x128xf32, #tpu.memory_space<vmem>>, vector<1x1x16xf32>,
      %get3A_547 = vector.shape_cast %get3A_546 : vector<1x1x16xf32> to vector<16xf32>
      %swap3A_548 = arith.constant 0 : i32
      %swap3A_549 = arith.index_cast %swap3A_548 : i32 to index
      %swap3A_550 = arith.index_cast %scan3A_530 : i32 to index
      %swap3A_551 = arith.constant 16 : index
      %swap3A_552 = tpu.vector_load %arg8[%swap3A_549, %swap3A_550, %swap3A_551] {strides = array<i32>} : memref<4x128x64xf32, #tpu.memory_space<vmem>>, vector<1x1x16xf32>,
      %swap3A_553 = vector.shape_cast %swap3A_552 : vector<1x1x16xf32> to vector<16xf32>
      %swap3A_554 = vector.shape_cast %get3A_547 : vector<16xf32> to vector<1x1x16xf32>
      tpu.vector_store %arg8[%swap3A_549, %swap3A_550, %swap3A_551], %swap3A_554 {strides = array<i32>} : memref<4x128x64xf32, #tpu.memory_space<vmem>>, vector<1x1x16xf32>,
      %get3A_555 = arith.constant 0 : i32
      %get3A_556 = arith.index_cast %get3A_555 : i32 to index
      %get3A_557 = arith.index_cast %scan3A_530 : i32 to index
      %get3A_558 = arith.constant 32 : index
      %get3A_559 = tpu.vector_load %arg7[%get3A_556, %get3A_557, %get3A_558] {strides = array<i32>} : memref<3x128x128xf32, #tpu.memory_space<vmem>>, vector<1x1x16xf32>,
      %get3A_560 = vector.shape_cast %get3A_559 : vector<1x1x16xf32> to vector<16xf32>
      %swap3A_561 = arith.constant 0 : i32
      %swap3A_562 = arith.index_cast %swap3A_561 : i32 to index
      %swap3A_563 = arith.index_cast %scan3A_530 : i32 to index
      %swap3A_564 = arith.constant 32 : index
      %swap3A_565 = tpu.vector_load %arg8[%swap3A_562, %swap3A_563, %swap3A_564] {strides = array<i32>} : memref<4x128x64xf32, #tpu.memory_space<vmem>>, vector<1x1x16xf32>,
      %swap3A_566 = vector.shape_cast %swap3A_565 : vector<1x1x16xf32> to vector<16xf32>
      %swap3A_567 = vector.shape_cast %get3A_560 : vector<16xf32> to vector<1x1x16xf32>
      tpu.vector_store %arg8[%swap3A_562, %swap3A_563, %swap3A_564], %swap3A_567 {strides = array<i32>} : memref<4x128x64xf32, #tpu.memory_space<vmem>>, vector<1x1x16xf32>,
      %get3A_568 = arith.constant 0 : i32
      %get3A_569 = arith.index_cast %get3A_568 : i32 to index
      %get3A_570 = arith.index_cast %scan3A_530 : i32 to index
      %get3A_571 = arith.constant 48 : index
      %get3A_572 = tpu.vector_load %arg7[%get3A_569, %get3A_570, %get3A_571] {strides = array<i32>} : memref<3x128x128xf32, #tpu.memory_space<vmem>>, vector<1x1x16xf32>,
      %get3A_573 = vector.shape_cast %get3A_572 : vector<1x1x16xf32> to vector<16xf32>
      %swap3A_574 = arith.constant 0 : i32
      %swap3A_575 = arith.index_cast %swap3A_574 : i32 to index
      %swap3A_576 = arith.index_cast %scan3A_530 : i32 to index
      %swap3A_577 = arith.constant 48 : index
      %swap3A_578 = tpu.vector_load %arg8[%swap3A_575, %swap3A_576, %swap3A_577] {strides = array<i32>} : memref<4x128x64xf32, #tpu.memory_space<vmem>>, vector<1x1x16xf32>,
      %swap3A_579 = vector.shape_cast %swap3A_578 : vector<1x1x16xf32> to vector<16xf32>
      %swap3A_580 = vector.shape_cast %get3A_573 : vector<16xf32> to vector<1x1x16xf32>
      tpu.vector_store %arg8[%swap3A_575, %swap3A_576, %swap3A_577], %swap3A_580 {strides = array<i32>} : memref<4x128x64xf32, #tpu.memory_space<vmem>>, vector<1x1x16xf32>,
    }
    %scan3A_59 = arith.constant 128 : i32
    %add3A_60 = arith.constant 0 : i32
    %add3A_61 = arith.addi %mul3A_2, %add3A_60 : i32
    %dma_start3A_62 = arith.constant 0 : i32
    %dma_start3A_63 = arith.constant 0 : i32
    %dma_start3A_64 = arith.constant 0 : i32
    %dma_start3A_65 = arith.constant 0 : i32
    %dma_start3A_66 = tpu.memref_slice %arg8[%dma_start3A_62, %dma_start3A_64, %dma_start3A_65] : memref<4x128x64xf32, #tpu.memory_space<vmem>> -> memref<1x128x64xf32, #tpu.memory_space<vmem>>
    %dma_start3A_67 = tpu.memref_squeeze %dma_start3A_66 : memref<1x128x64xf32, #tpu.memory_space<vmem>> -> memref<128x64xf32, #tpu.memory_space<vmem>>
    %dma_start3A_68 = arith.constant 0 : i32
    %dma_start3A_69 = tpu.memref_slice %arg4[%add3A_61, %dma_start3A_68] : memref<32768x64xf32, #tpu.memory_space<hbm>> -> memref<128x64xf32, #tpu.memory_space<hbm>>
    %dma_start3A_70 = tpu.memref_slice %arg10[%dma_start3A_63] : memref<4x!tpu.dma_semaphore, #tpu.memory_space<semaphore_mem>> -> memref<1x!tpu.dma_semaphore, #tpu.memory_space<semaphore_mem>>
    %dma_start3A_71 = tpu.memref_squeeze %dma_start3A_70 : memref<1x!tpu.dma_semaphore, #tpu.memory_space<semaphore_mem>> -> memref<!tpu.dma_semaphore, #tpu.memory_space<semaphore_mem>>
    %dma_start3A_72 = arith.constant 0 : i32
    %dma_start3A_73 = tpu.memref_slice %arg4[%add3A_61, %dma_start3A_72] : memref<32768x64xf32, #tpu.memory_space<hbm>> -> memref<128x64xf32, #tpu.memory_space<hbm>>
    %dma_start3A_74 = arith.constant 0 : i32
    %dma_start3A_75 = arith.constant 0 : i32
    %dma_start3A_76 = tpu.memref_slice %arg8[%dma_start3A_62, %dma_start3A_74, %dma_start3A_75] : memref<4x128x64xf32, #tpu.memory_space<vmem>> -> memref<1x128x64xf32, #tpu.memory_space<vmem>>
    %dma_start3A_77 = tpu.memref_squeeze %dma_start3A_76 : memref<1x128x64xf32, #tpu.memory_space<vmem>> -> memref<128x64xf32, #tpu.memory_space<vmem>>
    tpu.enqueue_dma source(%dma_start3A_77 : memref<128x64xf32, #tpu.memory_space<vmem>>) target(%dma_start3A_73 : memref<128x64xf32, #tpu.memory_space<hbm>>) target_semaphore(%dma_start3A_71 : memref<!tpu.dma_semaphore, #tpu.memory_space<semaphore_mem>>)
    %dma_start3A_78 = arith.constant 0 : i32
    %dma_start3A_79 = arith.constant 0 : i32
    %dma_start3A_80 = arith.constant 0 : i32
    %dma_start3A_81 = arith.constant 0 : i32
    %dma_start3A_82 = tpu.memref_slice %arg7[%dma_start3A_78, %dma_start3A_80, %dma_start3A_81] : memref<3x128x128xf32, #tpu.memory_space<vmem>> -> memref<1x128x128xf32, #tpu.memory_space<vmem>>
    %dma_start3A_83 = tpu.memref_squeeze %dma_start3A_82 : memref<1x128x128xf32, #tpu.memory_space<vmem>> -> memref<128x128xf32, #tpu.memory_space<vmem>>
    %dma_start3A_84 = arith.constant 384 : i32
    %dma_start3A_85 = tpu.memref_slice %arg6[%dma_start3A_84] : memref<1024xi32, #tpu.memory_space<vmem>> -> memref<128xi32, #tpu.memory_space<vmem>>
    %dma_start3A_86 = arith.constant 0 : i32
    %dma_start3A_87 = arith.constant 0 : i32
    %dma_start3A_88 = tpu.memref_slice %arg5[%dma_start3A_86, %dma_start3A_87] : memref<128x128xf32, #tpu.memory_space<vmem_shared>> -> memref<128x128xf32, #tpu.memory_space<vmem_shared>>
    %dma_start3A_89 = tpu.memref_slice %arg9[%dma_start3A_79] : memref<3x!tpu.dma_semaphore, #tpu.memory_space<semaphore_mem>> -> memref<1x!tpu.dma_semaphore, #tpu.memory_space<semaphore_mem>>
    %dma_start3A_90 = tpu.memref_squeeze %dma_start3A_89 : memref<1x!tpu.dma_semaphore, #tpu.memory_space<semaphore_mem>> -> memref<!tpu.dma_semaphore, #tpu.memory_space<semaphore_mem>>
    tpu.enqueue_indirect_dma source(%dma_start3A_88 : memref<128x128xf32, #tpu.memory_space<vmem_shared>>) target(%dma_start3A_83 : memref<128x128xf32, #tpu.memory_space<vmem>>) offsets(%dma_start3A_85 : memref<128xi32, #tpu.memory_space<vmem>>) semaphore(%dma_start3A_90 : memref<!tpu.dma_semaphore, #tpu.memory_space<semaphore_mem>>)
    %dma_wait3A_91 = arith.constant 1 : i32
    %dma_wait3A_92 = arith.constant 1 : i32
    %dma_wait3A_93 = arith.constant 0 : i32
    %dma_wait3A_94 = arith.constant 0 : i32
    %dma_wait3A_95 = tpu.memref_slice %arg7[%dma_wait3A_91, %dma_wait3A_93, %dma_wait3A_94] : memref<3x128x128xf32, #tpu.memory_space<vmem>> -> memref<1x128x128xf32, #tpu.memory_space<vmem>>
    %dma_wait3A_96 = tpu.memref_squeeze %dma_wait3A_95 : memref<1x128x128xf32, #tpu.memory_space<vmem>> -> memref<128x128xf32, #tpu.memory_space<vmem>>
    %dma_wait3A_97 = arith.constant 128 : i32
    %dma_wait3A_98 = tpu.memref_slice %arg6[%dma_wait3A_97] : memref<1024xi32, #tpu.memory_space<vmem>> -> memref<128xi32, #tpu.memory_space<vmem>>
    %dma_wait3A_99 = arith.constant 0 : i32
    %dma_wait3A_100 = arith.constant 0 : i32
    %dma_wait3A_101 = tpu.memref_slice %arg5[%dma_wait3A_99, %dma_wait3A_100] : memref<128x128xf32, #tpu.memory_space<vmem_shared>> -> memref<128x128xf32, #tpu.memory_space<vmem_shared>>
    %dma_wait3A_102 = tpu.memref_slice %arg9[%dma_wait3A_92] : memref<3x!tpu.dma_semaphore, #tpu.memory_space<semaphore_mem>> -> memref<1x!tpu.dma_semaphore, #tpu.memory_space<semaphore_mem>>
    %dma_wait3A_103 = tpu.memref_squeeze %dma_wait3A_102 : memref<1x!tpu.dma_semaphore, #tpu.memory_space<semaphore_mem>> -> memref<!tpu.dma_semaphore, #tpu.memory_space<semaphore_mem>>
    tpu.wait_indirect_dma semaphore(%dma_wait3A_103 : memref<!tpu.dma_semaphore, #tpu.memory_space<semaphore_mem>>) src(%dma_wait3A_101 : memref<128x128xf32, #tpu.memory_space<vmem_shared>>) dst(%dma_wait3A_96 : memref<128x128xf32, #tpu.memory_space<vmem>>)
    %scan3A_104 = arith.constant 0 : i32
    %scan3A_105 = arith.constant 0 : i32
    %scan3A_106 = arith.constant 128 : i32
    %scan3A_107 = arith.addi %scan3A_105, %scan3A_106 : i32
    %scan3A_108 = arith.constant 1 : i32
    scf.for %scan3A_530 = %scan3A_105 to %scan3A_107 step %scan3A_108  : i32 {
      %get3A = arith.constant 1 : i32
      %get3A_531 = arith.index_cast %get3A : i32 to index
      %get3A_532 = arith.index_cast %scan3A_530 : i32 to index
      %get3A_533 = arith.constant 0 : index
      %get3A_534 = tpu.vector_load %arg7[%get3A_531, %get3A_532, %get3A_533] {strides = array<i32>} : memref<3x128x128xf32, #tpu.memory_space<vmem>>, vector<1x1x16xf32>,
      %get3A_535 = vector.shape_cast %get3A_534 : vector<1x1x16xf32> to vector<16xf32>
      %swap3A = arith.constant 1 : i32
      %swap3A_536 = arith.index_cast %swap3A : i32 to index
      %swap3A_537 = arith.index_cast %scan3A_530 : i32 to index
      %swap3A_538 = arith.constant 0 : index
      %swap3A_539 = tpu.vector_load %arg8[%swap3A_536, %swap3A_537, %swap3A_538] {strides = array<i32>} : memref<4x128x64xf32, #tpu.memory_space<vmem>>, vector<1x1x16xf32>,
      %swap3A_540 = vector.shape_cast %swap3A_539 : vector<1x1x16xf32> to vector<16xf32>
      %swap3A_541 = vector.shape_cast %get3A_535 : vector<16xf32> to vector<1x1x16xf32>
      tpu.vector_store %arg8[%swap3A_536, %swap3A_537, %swap3A_538], %swap3A_541 {strides = array<i32>} : memref<4x128x64xf32, #tpu.memory_space<vmem>>, vector<1x1x16xf32>,
      %get3A_542 = arith.constant 1 : i32
      %get3A_543 = arith.index_cast %get3A_542 : i32 to index
      %get3A_544 = arith.index_cast %scan3A_530 : i32 to index
      %get3A_545 = arith.constant 16 : index
      %get3A_546 = tpu.vector_load %arg7[%get3A_543, %get3A_544, %get3A_545] {strides = array<i32>} : memref<3x128x128xf32, #tpu.memory_space<vmem>>, vector<1x1x16xf32>,
      %get3A_547 = vector.shape_cast %get3A_546 : vector<1x1x16xf32> to vector<16xf32>
      %swap3A_548 = arith.constant 1 : i32
      %swap3A_549 = arith.index_cast %swap3A_548 : i32 to index
      %swap3A_550 = arith.index_cast %scan3A_530 : i32 to index
      %swap3A_551 = arith.constant 16 : index
      %swap3A_552 = tpu.vector_load %arg8[%swap3A_549, %swap3A_550, %swap3A_551] {strides = array<i32>} : memref<4x128x64xf32, #tpu.memory_space<vmem>>, vector<1x1x16xf32>,
      %swap3A_553 = vector.shape_cast %swap3A_552 : vector<1x1x16xf32> to vector<16xf32>
      %swap3A_554 = vector.shape_cast %get3A_547 : vector<16xf32> to vector<1x1x16xf32>
      tpu.vector_store %arg8[%swap3A_549, %swap3A_550, %swap3A_551], %swap3A_554 {strides = array<i32>} : memref<4x128x64xf32, #tpu.memory_space<vmem>>, vector<1x1x16xf32>,
      %get3A_555 = arith.constant 1 : i32
      %get3A_556 = arith.index_cast %get3A_555 : i32 to index
      %get3A_557 = arith.index_cast %scan3A_530 : i32 to index
      %get3A_558 = arith.constant 32 : index
      %get3A_559 = tpu.vector_load %arg7[%get3A_556, %get3A_557, %get3A_558] {strides = array<i32>} : memref<3x128x128xf32, #tpu.memory_space<vmem>>, vector<1x1x16xf32>,
      %get3A_560 = vector.shape_cast %get3A_559 : vector<1x1x16xf32> to vector<16xf32>
      %swap3A_561 = arith.constant 1 : i32
      %swap3A_562 = arith.index_cast %swap3A_561 : i32 to index
      %swap3A_563 = arith.index_cast %scan3A_530 : i32 to index
      %swap3A_564 = arith.constant 32 : index
      %swap3A_565 = tpu.vector_load %arg8[%swap3A_562, %swap3A_563, %swap3A_564] {strides = array<i32>} : memref<4x128x64xf32, #tpu.memory_space<vmem>>, vector<1x1x16xf32>,
      %swap3A_566 = vector.shape_cast %swap3A_565 : vector<1x1x16xf32> to vector<16xf32>
      %swap3A_567 = vector.shape_cast %get3A_560 : vector<16xf32> to vector<1x1x16xf32>
      tpu.vector_store %arg8[%swap3A_562, %swap3A_563, %swap3A_564], %swap3A_567 {strides = array<i32>} : memref<4x128x64xf32, #tpu.memory_space<vmem>>, vector<1x1x16xf32>,
      %get3A_568 = arith.constant 1 : i32
      %get3A_569 = arith.index_cast %get3A_568 : i32 to index
      %get3A_570 = arith.index_cast %scan3A_530 : i32 to index
      %get3A_571 = arith.constant 48 : index
      %get3A_572 = tpu.vector_load %arg7[%get3A_569, %get3A_570, %get3A_571] {strides = array<i32>} : memref<3x128x128xf32, #tpu.memory_space<vmem>>, vector<1x1x16xf32>,
      %get3A_573 = vector.shape_cast %get3A_572 : vector<1x1x16xf32> to vector<16xf32>
      %swap3A_574 = arith.constant 1 : i32
      %swap3A_575 = arith.index_cast %swap3A_574 : i32 to index
      %swap3A_576 = arith.index_cast %scan3A_530 : i32 to index
      %swap3A_577 = arith.constant 48 : index
      %swap3A_578 = tpu.vector_load %arg8[%swap3A_575, %swap3A_576, %swap3A_577] {strides = array<i32>} : memref<4x128x64xf32, #tpu.memory_space<vmem>>, vector<1x1x16xf32>,
      %swap3A_579 = vector.shape_cast %swap3A_578 : vector<1x1x16xf32> to vector<16xf32>
      %swap3A_580 = vector.shape_cast %get3A_573 : vector<16xf32> to vector<1x1x16xf32>
      tpu.vector_store %arg8[%swap3A_575, %swap3A_576, %swap3A_577], %swap3A_580 {strides = array<i32>} : memref<4x128x64xf32, #tpu.memory_space<vmem>>, vector<1x1x16xf32>,
    }
    %scan3A_109 = arith.constant 128 : i32
    %add3A_110 = arith.constant 128 : i32
    %add3A_111 = arith.addi %mul3A_2, %add3A_110 : i32
    %dma_start3A_112 = arith.constant 1 : i32
    %dma_start3A_113 = arith.constant 1 : i32
    %dma_start3A_114 = arith.constant 0 : i32
    %dma_start3A_115 = arith.constant 0 : i32
    %dma_start3A_116 = tpu.memref_slice %arg8[%dma_start3A_112, %dma_start3A_114, %dma_start3A_115] : memref<4x128x64xf32, #tpu.memory_space<vmem>> -> memref<1x128x64xf32, #tpu.memory_space<vmem>>
    %dma_start3A_117 = tpu.memref_squeeze %dma_start3A_116 : memref<1x128x64xf32, #tpu.memory_space<vmem>> -> memref<128x64xf32, #tpu.memory_space<vmem>>
    %dma_start3A_118 = arith.constant 0 : i32
    %dma_start3A_119 = tpu.memref_slice %arg4[%add3A_111, %dma_start3A_118] : memref<32768x64xf32, #tpu.memory_space<hbm>> -> memref<128x64xf32, #tpu.memory_space<hbm>>
    %dma_start3A_120 = tpu.memref_slice %arg10[%dma_start3A_113] : memref<4x!tpu.dma_semaphore, #tpu.memory_space<semaphore_mem>> -> memref<1x!tpu.dma_semaphore, #tpu.memory_space<semaphore_mem>>
    %dma_start3A_121 = tpu.memref_squeeze %dma_start3A_120 : memref<1x!tpu.dma_semaphore, #tpu.memory_space<semaphore_mem>> -> memref<!tpu.dma_semaphore, #tpu.memory_space<semaphore_mem>>
    %dma_start3A_122 = arith.constant 0 : i32
    %dma_start3A_123 = tpu.memref_slice %arg4[%add3A_111, %dma_start3A_122] : memref<32768x64xf32, #tpu.memory_space<hbm>> -> memref<128x64xf32, #tpu.memory_space<hbm>>
    %dma_start3A_124 = arith.constant 0 : i32
    %dma_start3A_125 = arith.constant 0 : i32
    %dma_start3A_126 = tpu.memref_slice %arg8[%dma_start3A_112, %dma_start3A_124, %dma_start3A_125] : memref<4x128x64xf32, #tpu.memory_space<vmem>> -> memref<1x128x64xf32, #tpu.memory_space<vmem>>
    %dma_start3A_127 = tpu.memref_squeeze %dma_start3A_126 : memref<1x128x64xf32, #tpu.memory_space<vmem>> -> memref<128x64xf32, #tpu.memory_space<vmem>>
    tpu.enqueue_dma source(%dma_start3A_127 : memref<128x64xf32, #tpu.memory_space<vmem>>) target(%dma_start3A_123 : memref<128x64xf32, #tpu.memory_space<hbm>>) target_semaphore(%dma_start3A_121 : memref<!tpu.dma_semaphore, #tpu.memory_space<semaphore_mem>>)
    %dma_start3A_128 = arith.constant 1 : i32
    %dma_start3A_129 = arith.constant 1 : i32
    %dma_start3A_130 = arith.constant 0 : i32
    %dma_start3A_131 = arith.constant 0 : i32
    %dma_start3A_132 = tpu.memref_slice %arg7[%dma_start3A_128, %dma_start3A_130, %dma_start3A_131] : memref<3x128x128xf32, #tpu.memory_space<vmem>> -> memref<1x128x128xf32, #tpu.memory_space<vmem>>
    %dma_start3A_133 = tpu.memref_squeeze %dma_start3A_132 : memref<1x128x128xf32, #tpu.memory_space<vmem>> -> memref<128x128xf32, #tpu.memory_space<vmem>>
    %dma_start3A_134 = arith.constant 512 : i32
    %dma_start3A_135 = tpu.memref_slice %arg6[%dma_start3A_134] : memref<1024xi32, #tpu.memory_space<vmem>> -> memref<128xi32, #tpu.memory_space<vmem>>
    %dma_start3A_136 = arith.constant 0 : i32
    %dma_start3A_137 = arith.constant 0 : i32
    %dma_start3A_138 = tpu.memref_slice %arg5[%dma_start3A_136, %dma_start3A_137] : memref<128x128xf32, #tpu.memory_space<vmem_shared>> -> memref<128x128xf32, #tpu.memory_space<vmem_shared>>
    %dma_start3A_139 = tpu.memref_slice %arg9[%dma_start3A_129] : memref<3x!tpu.dma_semaphore, #tpu.memory_space<semaphore_mem>> -> memref<1x!tpu.dma_semaphore, #tpu.memory_space<semaphore_mem>>
    %dma_start3A_140 = tpu.memref_squeeze %dma_start3A_139 : memref<1x!tpu.dma_semaphore, #tpu.memory_space<semaphore_mem>> -> memref<!tpu.dma_semaphore, #tpu.memory_space<semaphore_mem>>
    tpu.enqueue_indirect_dma source(%dma_start3A_138 : memref<128x128xf32, #tpu.memory_space<vmem_shared>>) target(%dma_start3A_133 : memref<128x128xf32, #tpu.memory_space<vmem>>) offsets(%dma_start3A_135 : memref<128xi32, #tpu.memory_space<vmem>>) semaphore(%dma_start3A_140 : memref<!tpu.dma_semaphore, #tpu.memory_space<semaphore_mem>>)
    %dma_wait3A_141 = arith.constant 2 : i32
    %dma_wait3A_142 = arith.constant 2 : i32
    %dma_wait3A_143 = arith.constant 0 : i32
    %dma_wait3A_144 = arith.constant 0 : i32
    %dma_wait3A_145 = tpu.memref_slice %arg7[%dma_wait3A_141, %dma_wait3A_143, %dma_wait3A_144] : memref<3x128x128xf32, #tpu.memory_space<vmem>> -> memref<1x128x128xf32, #tpu.memory_space<vmem>>
    %dma_wait3A_146 = tpu.memref_squeeze %dma_wait3A_145 : memref<1x128x128xf32, #tpu.memory_space<vmem>> -> memref<128x128xf32, #tpu.memory_space<vmem>>
    %dma_wait3A_147 = arith.constant 256 : i32
    %dma_wait3A_148 = tpu.memref_slice %arg6[%dma_wait3A_147] : memref<1024xi32, #tpu.memory_space<vmem>> -> memref<128xi32, #tpu.memory_space<vmem>>
    %dma_wait3A_149 = arith.constant 0 : i32
    %dma_wait3A_150 = arith.constant 0 : i32
    %dma_wait3A_151 = tpu.memref_slice %arg5[%dma_wait3A_149, %dma_wait3A_150] : memref<128x128xf32, #tpu.memory_space<vmem_shared>> -> memref<128x128xf32, #tpu.memory_space<vmem_shared>>
    %dma_wait3A_152 = tpu.memref_slice %arg9[%dma_wait3A_142] : memref<3x!tpu.dma_semaphore, #tpu.memory_space<semaphore_mem>> -> memref<1x!tpu.dma_semaphore, #tpu.memory_space<semaphore_mem>>
    %dma_wait3A_153 = tpu.memref_squeeze %dma_wait3A_152 : memref<1x!tpu.dma_semaphore, #tpu.memory_space<semaphore_mem>> -> memref<!tpu.dma_semaphore, #tpu.memory_space<semaphore_mem>>
    tpu.wait_indirect_dma semaphore(%dma_wait3A_153 : memref<!tpu.dma_semaphore, #tpu.memory_space<semaphore_mem>>) src(%dma_wait3A_151 : memref<128x128xf32, #tpu.memory_space<vmem_shared>>) dst(%dma_wait3A_146 : memref<128x128xf32, #tpu.memory_space<vmem>>)
    %scan3A_154 = arith.constant 0 : i32
    %scan3A_155 = arith.constant 0 : i32
    %scan3A_156 = arith.constant 128 : i32
    %scan3A_157 = arith.addi %scan3A_155, %scan3A_156 : i32
    %scan3A_158 = arith.constant 1 : i32
    scf.for %scan3A_530 = %scan3A_155 to %scan3A_157 step %scan3A_158  : i32 {
      %get3A = arith.constant 2 : i32
      %get3A_531 = arith.index_cast %get3A : i32 to index
      %get3A_532 = arith.index_cast %scan3A_530 : i32 to index
      %get3A_533 = arith.constant 0 : index
      %get3A_534 = tpu.vector_load %arg7[%get3A_531, %get3A_532, %get3A_533] {strides = array<i32>} : memref<3x128x128xf32, #tpu.memory_space<vmem>>, vector<1x1x16xf32>,
      %get3A_535 = vector.shape_cast %get3A_534 : vector<1x1x16xf32> to vector<16xf32>
      %swap3A = arith.constant 2 : i32
      %swap3A_536 = arith.index_cast %swap3A : i32 to index
      %swap3A_537 = arith.index_cast %scan3A_530 : i32 to index
      %swap3A_538 = arith.constant 0 : index
      %swap3A_539 = tpu.vector_load %arg8[%swap3A_536, %swap3A_537, %swap3A_538] {strides = array<i32>} : memref<4x128x64xf32, #tpu.memory_space<vmem>>, vector<1x1x16xf32>,
      %swap3A_540 = vector.shape_cast %swap3A_539 : vector<1x1x16xf32> to vector<16xf32>
      %swap3A_541 = vector.shape_cast %get3A_535 : vector<16xf32> to vector<1x1x16xf32>
      tpu.vector_store %arg8[%swap3A_536, %swap3A_537, %swap3A_538], %swap3A_541 {strides = array<i32>} : memref<4x128x64xf32, #tpu.memory_space<vmem>>, vector<1x1x16xf32>,
      %get3A_542 = arith.constant 2 : i32
      %get3A_543 = arith.index_cast %get3A_542 : i32 to index
      %get3A_544 = arith.index_cast %scan3A_530 : i32 to index
      %get3A_545 = arith.constant 16 : index
      %get3A_546 = tpu.vector_load %arg7[%get3A_543, %get3A_544, %get3A_545] {strides = array<i32>} : memref<3x128x128xf32, #tpu.memory_space<vmem>>, vector<1x1x16xf32>,
      %get3A_547 = vector.shape_cast %get3A_546 : vector<1x1x16xf32> to vector<16xf32>
      %swap3A_548 = arith.constant 2 : i32
      %swap3A_549 = arith.index_cast %swap3A_548 : i32 to index
      %swap3A_550 = arith.index_cast %scan3A_530 : i32 to index
      %swap3A_551 = arith.constant 16 : index
      %swap3A_552 = tpu.vector_load %arg8[%swap3A_549, %swap3A_550, %swap3A_551] {strides = array<i32>} : memref<4x128x64xf32, #tpu.memory_space<vmem>>, vector<1x1x16xf32>,
      %swap3A_553 = vector.shape_cast %swap3A_552 : vector<1x1x16xf32> to vector<16xf32>
      %swap3A_554 = vector.shape_cast %get3A_547 : vector<16xf32> to vector<1x1x16xf32>
      tpu.vector_store %arg8[%swap3A_549, %swap3A_550, %swap3A_551], %swap3A_554 {strides = array<i32>} : memref<4x128x64xf32, #tpu.memory_space<vmem>>, vector<1x1x16xf32>,
      %get3A_555 = arith.constant 2 : i32
      %get3A_556 = arith.index_cast %get3A_555 : i32 to index
      %get3A_557 = arith.index_cast %scan3A_530 : i32 to index
      %get3A_558 = arith.constant 32 : index
      %get3A_559 = tpu.vector_load %arg7[%get3A_556, %get3A_557, %get3A_558] {strides = array<i32>} : memref<3x128x128xf32, #tpu.memory_space<vmem>>, vector<1x1x16xf32>,
      %get3A_560 = vector.shape_cast %get3A_559 : vector<1x1x16xf32> to vector<16xf32>
      %swap3A_561 = arith.constant 2 : i32
      %swap3A_562 = arith.index_cast %swap3A_561 : i32 to index
      %swap3A_563 = arith.index_cast %scan3A_530 : i32 to index
      %swap3A_564 = arith.constant 32 : index
      %swap3A_565 = tpu.vector_load %arg8[%swap3A_562, %swap3A_563, %swap3A_564] {strides = array<i32>} : memref<4x128x64xf32, #tpu.memory_space<vmem>>, vector<1x1x16xf32>,
      %swap3A_566 = vector.shape_cast %swap3A_565 : vector<1x1x16xf32> to vector<16xf32>
      %swap3A_567 = vector.shape_cast %get3A_560 : vector<16xf32> to vector<1x1x16xf32>
      tpu.vector_store %arg8[%swap3A_562, %swap3A_563, %swap3A_564], %swap3A_567 {strides = array<i32>} : memref<4x128x64xf32, #tpu.memory_space<vmem>>, vector<1x1x16xf32>,
      %get3A_568 = arith.constant 2 : i32
      %get3A_569 = arith.index_cast %get3A_568 : i32 to index
      %get3A_570 = arith.index_cast %scan3A_530 : i32 to index
      %get3A_571 = arith.constant 48 : index
      %get3A_572 = tpu.vector_load %arg7[%get3A_569, %get3A_570, %get3A_571] {strides = array<i32>} : memref<3x128x128xf32, #tpu.memory_space<vmem>>, vector<1x1x16xf32>,
      %get3A_573 = vector.shape_cast %get3A_572 : vector<1x1x16xf32> to vector<16xf32>
      %swap3A_574 = arith.constant 2 : i32
      %swap3A_575 = arith.index_cast %swap3A_574 : i32 to index
      %swap3A_576 = arith.index_cast %scan3A_530 : i32 to index
      %swap3A_577 = arith.constant 48 : index
      %swap3A_578 = tpu.vector_load %arg8[%swap3A_575, %swap3A_576, %swap3A_577] {strides = array<i32>} : memref<4x128x64xf32, #tpu.memory_space<vmem>>, vector<1x1x16xf32>,
      %swap3A_579 = vector.shape_cast %swap3A_578 : vector<1x1x16xf32> to vector<16xf32>
      %swap3A_580 = vector.shape_cast %get3A_573 : vector<16xf32> to vector<1x1x16xf32>
      tpu.vector_store %arg8[%swap3A_575, %swap3A_576, %swap3A_577], %swap3A_580 {strides = array<i32>} : memref<4x128x64xf32, #tpu.memory_space<vmem>>, vector<1x1x16xf32>,
    }
    %scan3A_159 = arith.constant 128 : i32
    %add3A_160 = arith.constant 256 : i32
    %add3A_161 = arith.addi %mul3A_2, %add3A_160 : i32
    %dma_start3A_162 = arith.constant 2 : i32
    %dma_start3A_163 = arith.constant 2 : i32
    %dma_start3A_164 = arith.constant 0 : i32
    %dma_start3A_165 = arith.constant 0 : i32
    %dma_start3A_166 = tpu.memref_slice %arg8[%dma_start3A_162, %dma_start3A_164, %dma_start3A_165] : memref<4x128x64xf32, #tpu.memory_space<vmem>> -> memref<1x128x64xf32, #tpu.memory_space<vmem>>
    %dma_start3A_167 = tpu.memref_squeeze %dma_start3A_166 : memref<1x128x64xf32, #tpu.memory_space<vmem>> -> memref<128x64xf32, #tpu.memory_space<vmem>>
    %dma_start3A_168 = arith.constant 0 : i32
    %dma_start3A_169 = tpu.memref_slice %arg4[%add3A_161, %dma_start3A_168] : memref<32768x64xf32, #tpu.memory_space<hbm>> -> memref<128x64xf32, #tpu.memory_space<hbm>>
    %dma_start3A_170 = tpu.memref_slice %arg10[%dma_start3A_163] : memref<4x!tpu.dma_semaphore, #tpu.memory_space<semaphore_mem>> -> memref<1x!tpu.dma_semaphore, #tpu.memory_space<semaphore_mem>>
    %dma_start3A_171 = tpu.memref_squeeze %dma_start3A_170 : memref<1x!tpu.dma_semaphore, #tpu.memory_space<semaphore_mem>> -> memref<!tpu.dma_semaphore, #tpu.memory_space<semaphore_mem>>
    %dma_start3A_172 = arith.constant 0 : i32
    %dma_start3A_173 = tpu.memref_slice %arg4[%add3A_161, %dma_start3A_172] : memref<32768x64xf32, #tpu.memory_space<hbm>> -> memref<128x64xf32, #tpu.memory_space<hbm>>
    %dma_start3A_174 = arith.constant 0 : i32
    %dma_start3A_175 = arith.constant 0 : i32
    %dma_start3A_176 = tpu.memref_slice %arg8[%dma_start3A_162, %dma_start3A_174, %dma_start3A_175] : memref<4x128x64xf32, #tpu.memory_space<vmem>> -> memref<1x128x64xf32, #tpu.memory_space<vmem>>
    %dma_start3A_177 = tpu.memref_squeeze %dma_start3A_176 : memref<1x128x64xf32, #tpu.memory_space<vmem>> -> memref<128x64xf32, #tpu.memory_space<vmem>>
    tpu.enqueue_dma source(%dma_start3A_177 : memref<128x64xf32, #tpu.memory_space<vmem>>) target(%dma_start3A_173 : memref<128x64xf32, #tpu.memory_space<hbm>>) target_semaphore(%dma_start3A_171 : memref<!tpu.dma_semaphore, #tpu.memory_space<semaphore_mem>>)
    %dma_start3A_178 = arith.constant 2 : i32
    %dma_start3A_179 = arith.constant 2 : i32
    %dma_start3A_180 = arith.constant 0 : i32
    %dma_start3A_181 = arith.constant 0 : i32
    %dma_start3A_182 = tpu.memref_slice %arg7[%dma_start3A_178, %dma_start3A_180, %dma_start3A_181] : memref<3x128x128xf32, #tpu.memory_space<vmem>> -> memref<1x128x128xf32, #tpu.memory_space<vmem>>
    %dma_start3A_183 = tpu.memref_squeeze %dma_start3A_182 : memref<1x128x128xf32, #tpu.memory_space<vmem>> -> memref<128x128xf32, #tpu.memory_space<vmem>>
    %dma_start3A_184 = arith.constant 640 : i32
    %dma_start3A_185 = tpu.memref_slice %arg6[%dma_start3A_184] : memref<1024xi32, #tpu.memory_space<vmem>> -> memref<128xi32, #tpu.memory_space<vmem>>
    %dma_start3A_186 = arith.constant 0 : i32
    %dma_start3A_187 = arith.constant 0 : i32
    %dma_start3A_188 = tpu.memref_slice %arg5[%dma_start3A_186, %dma_start3A_187] : memref<128x128xf32, #tpu.memory_space<vmem_shared>> -> memref<128x128xf32, #tpu.memory_space<vmem_shared>>
    %dma_start3A_189 = tpu.memref_slice %arg9[%dma_start3A_179] : memref<3x!tpu.dma_semaphore, #tpu.memory_space<semaphore_mem>> -> memref<1x!tpu.dma_semaphore, #tpu.memory_space<semaphore_mem>>
    %dma_start3A_190 = tpu.memref_squeeze %dma_start3A_189 : memref<1x!tpu.dma_semaphore, #tpu.memory_space<semaphore_mem>> -> memref<!tpu.dma_semaphore, #tpu.memory_space<semaphore_mem>>
    tpu.enqueue_indirect_dma source(%dma_start3A_188 : memref<128x128xf32, #tpu.memory_space<vmem_shared>>) target(%dma_start3A_183 : memref<128x128xf32, #tpu.memory_space<vmem>>) offsets(%dma_start3A_185 : memref<128xi32, #tpu.memory_space<vmem>>) semaphore(%dma_start3A_190 : memref<!tpu.dma_semaphore, #tpu.memory_space<semaphore_mem>>)
    %dma_wait3A_191 = arith.constant 0 : i32
    %dma_wait3A_192 = arith.constant 0 : i32
    %dma_wait3A_193 = arith.constant 0 : i32
    %dma_wait3A_194 = arith.constant 0 : i32
    %dma_wait3A_195 = tpu.memref_slice %arg7[%dma_wait3A_191, %dma_wait3A_193, %dma_wait3A_194] : memref<3x128x128xf32, #tpu.memory_space<vmem>> -> memref<1x128x128xf32, #tpu.memory_space<vmem>>
    %dma_wait3A_196 = tpu.memref_squeeze %dma_wait3A_195 : memref<1x128x128xf32, #tpu.memory_space<vmem>> -> memref<128x128xf32, #tpu.memory_space<vmem>>
    %dma_wait3A_197 = arith.constant 384 : i32
    %dma_wait3A_198 = tpu.memref_slice %arg6[%dma_wait3A_197] : memref<1024xi32, #tpu.memory_space<vmem>> -> memref<128xi32, #tpu.memory_space<vmem>>
    %dma_wait3A_199 = arith.constant 0 : i32
    %dma_wait3A_200 = arith.constant 0 : i32
    %dma_wait3A_201 = tpu.memref_slice %arg5[%dma_wait3A_199, %dma_wait3A_200] : memref<128x128xf32, #tpu.memory_space<vmem_shared>> -> memref<128x128xf32, #tpu.memory_space<vmem_shared>>
    %dma_wait3A_202 = tpu.memref_slice %arg9[%dma_wait3A_192] : memref<3x!tpu.dma_semaphore, #tpu.memory_space<semaphore_mem>> -> memref<1x!tpu.dma_semaphore, #tpu.memory_space<semaphore_mem>>
    %dma_wait3A_203 = tpu.memref_squeeze %dma_wait3A_202 : memref<1x!tpu.dma_semaphore, #tpu.memory_space<semaphore_mem>> -> memref<!tpu.dma_semaphore, #tpu.memory_space<semaphore_mem>>
    tpu.wait_indirect_dma semaphore(%dma_wait3A_203 : memref<!tpu.dma_semaphore, #tpu.memory_space<semaphore_mem>>) src(%dma_wait3A_201 : memref<128x128xf32, #tpu.memory_space<vmem_shared>>) dst(%dma_wait3A_196 : memref<128x128xf32, #tpu.memory_space<vmem>>)
    %scan3A_204 = arith.constant 0 : i32
    %scan3A_205 = arith.constant 0 : i32
    %scan3A_206 = arith.constant 128 : i32
    %scan3A_207 = arith.addi %scan3A_205, %scan3A_206 : i32
    %scan3A_208 = arith.constant 1 : i32
    scf.for %scan3A_530 = %scan3A_205 to %scan3A_207 step %scan3A_208  : i32 {
      %get3A = arith.constant 0 : i32
      %get3A_531 = arith.index_cast %get3A : i32 to index
      %get3A_532 = arith.index_cast %scan3A_530 : i32 to index
      %get3A_533 = arith.constant 0 : index
      %get3A_534 = tpu.vector_load %arg7[%get3A_531, %get3A_532, %get3A_533] {strides = array<i32>} : memref<3x128x128xf32, #tpu.memory_space<vmem>>, vector<1x1x16xf32>,
      %get3A_535 = vector.shape_cast %get3A_534 : vector<1x1x16xf32> to vector<16xf32>
      %swap3A = arith.constant 3 : i32
      %swap3A_536 = arith.index_cast %swap3A : i32 to index
      %swap3A_537 = arith.index_cast %scan3A_530 : i32 to index
      %swap3A_538 = arith.constant 0 : index
      %swap3A_539 = tpu.vector_load %arg8[%swap3A_536, %swap3A_537, %swap3A_538] {strides = array<i32>} : memref<4x128x64xf32, #tpu.memory_space<vmem>>, vector<1x1x16xf32>,
      %swap3A_540 = vector.shape_cast %swap3A_539 : vector<1x1x16xf32> to vector<16xf32>
      %swap3A_541 = vector.shape_cast %get3A_535 : vector<16xf32> to vector<1x1x16xf32>
      tpu.vector_store %arg8[%swap3A_536, %swap3A_537, %swap3A_538], %swap3A_541 {strides = array<i32>} : memref<4x128x64xf32, #tpu.memory_space<vmem>>, vector<1x1x16xf32>,
      %get3A_542 = arith.constant 0 : i32
      %get3A_543 = arith.index_cast %get3A_542 : i32 to index
      %get3A_544 = arith.index_cast %scan3A_530 : i32 to index
      %get3A_545 = arith.constant 16 : index
      %get3A_546 = tpu.vector_load %arg7[%get3A_543, %get3A_544, %get3A_545] {strides = array<i32>} : memref<3x128x128xf32, #tpu.memory_space<vmem>>, vector<1x1x16xf32>,
      %get3A_547 = vector.shape_cast %get3A_546 : vector<1x1x16xf32> to vector<16xf32>
      %swap3A_548 = arith.constant 3 : i32
      %swap3A_549 = arith.index_cast %swap3A_548 : i32 to index
      %swap3A_550 = arith.index_cast %scan3A_530 : i32 to index
      %swap3A_551 = arith.constant 16 : index
      %swap3A_552 = tpu.vector_load %arg8[%swap3A_549, %swap3A_550, %swap3A_551] {strides = array<i32>} : memref<4x128x64xf32, #tpu.memory_space<vmem>>, vector<1x1x16xf32>,
      %swap3A_553 = vector.shape_cast %swap3A_552 : vector<1x1x16xf32> to vector<16xf32>
      %swap3A_554 = vector.shape_cast %get3A_547 : vector<16xf32> to vector<1x1x16xf32>
      tpu.vector_store %arg8[%swap3A_549, %swap3A_550, %swap3A_551], %swap3A_554 {strides = array<i32>} : memref<4x128x64xf32, #tpu.memory_space<vmem>>, vector<1x1x16xf32>,
      %get3A_555 = arith.constant 0 : i32
      %get3A_556 = arith.index_cast %get3A_555 : i32 to index
      %get3A_557 = arith.index_cast %scan3A_530 : i32 to index
      %get3A_558 = arith.constant 32 : index
      %get3A_559 = tpu.vector_load %arg7[%get3A_556, %get3A_557, %get3A_558] {strides = array<i32>} : memref<3x128x128xf32, #tpu.memory_space<vmem>>, vector<1x1x16xf32>,
      %get3A_560 = vector.shape_cast %get3A_559 : vector<1x1x16xf32> to vector<16xf32>
      %swap3A_561 = arith.constant 3 : i32
      %swap3A_562 = arith.index_cast %swap3A_561 : i32 to index
      %swap3A_563 = arith.index_cast %scan3A_530 : i32 to index
      %swap3A_564 = arith.constant 32 : index
      %swap3A_565 = tpu.vector_load %arg8[%swap3A_562, %swap3A_563, %swap3A_564] {strides = array<i32>} : memref<4x128x64xf32, #tpu.memory_space<vmem>>, vector<1x1x16xf32>,
      %swap3A_566 = vector.shape_cast %swap3A_565 : vector<1x1x16xf32> to vector<16xf32>
      %swap3A_567 = vector.shape_cast %get3A_560 : vector<16xf32> to vector<1x1x16xf32>
      tpu.vector_store %arg8[%swap3A_562, %swap3A_563, %swap3A_564], %swap3A_567 {strides = array<i32>} : memref<4x128x64xf32, #tpu.memory_space<vmem>>, vector<1x1x16xf32>,
      %get3A_568 = arith.constant 0 : i32
      %get3A_569 = arith.index_cast %get3A_568 : i32 to index
      %get3A_570 = arith.index_cast %scan3A_530 : i32 to index
      %get3A_571 = arith.constant 48 : index
      %get3A_572 = tpu.vector_load %arg7[%get3A_569, %get3A_570, %get3A_571] {strides = array<i32>} : memref<3x128x128xf32, #tpu.memory_space<vmem>>, vector<1x1x16xf32>,
      %get3A_573 = vector.shape_cast %get3A_572 : vector<1x1x16xf32> to vector<16xf32>
      %swap3A_574 = arith.constant 3 : i32
      %swap3A_575 = arith.index_cast %swap3A_574 : i32 to index
      %swap3A_576 = arith.index_cast %scan3A_530 : i32 to index
      %swap3A_577 = arith.constant 48 : index
      %swap3A_578 = tpu.vector_load %arg8[%swap3A_575, %swap3A_576, %swap3A_577] {strides = array<i32>} : memref<4x128x64xf32, #tpu.memory_space<vmem>>, vector<1x1x16xf32>,
      %swap3A_579 = vector.shape_cast %swap3A_578 : vector<1x1x16xf32> to vector<16xf32>
      %swap3A_580 = vector.shape_cast %get3A_573 : vector<16xf32> to vector<1x1x16xf32>
      tpu.vector_store %arg8[%swap3A_575, %swap3A_576, %swap3A_577], %swap3A_580 {strides = array<i32>} : memref<4x128x64xf32, #tpu.memory_space<vmem>>, vector<1x1x16xf32>,
    }
    %scan3A_209 = arith.constant 128 : i32
    %add3A_210 = arith.constant 384 : i32
    %add3A_211 = arith.addi %mul3A_2, %add3A_210 : i32
    %dma_start3A_212 = arith.constant 3 : i32
    %dma_start3A_213 = arith.constant 3 : i32
    %dma_start3A_214 = arith.constant 0 : i32
    %dma_start3A_215 = arith.constant 0 : i32
    %dma_start3A_216 = tpu.memref_slice %arg8[%dma_start3A_212, %dma_start3A_214, %dma_start3A_215] : memref<4x128x64xf32, #tpu.memory_space<vmem>> -> memref<1x128x64xf32, #tpu.memory_space<vmem>>
    %dma_start3A_217 = tpu.memref_squeeze %dma_start3A_216 : memref<1x128x64xf32, #tpu.memory_space<vmem>> -> memref<128x64xf32, #tpu.memory_space<vmem>>
    %dma_start3A_218 = arith.constant 0 : i32
    %dma_start3A_219 = tpu.memref_slice %arg4[%add3A_211, %dma_start3A_218] : memref<32768x64xf32, #tpu.memory_space<hbm>> -> memref<128x64xf32, #tpu.memory_space<hbm>>
    %dma_start3A_220 = tpu.memref_slice %arg10[%dma_start3A_213] : memref<4x!tpu.dma_semaphore, #tpu.memory_space<semaphore_mem>> -> memref<1x!tpu.dma_semaphore, #tpu.memory_space<semaphore_mem>>
    %dma_start3A_221 = tpu.memref_squeeze %dma_start3A_220 : memref<1x!tpu.dma_semaphore, #tpu.memory_space<semaphore_mem>> -> memref<!tpu.dma_semaphore, #tpu.memory_space<semaphore_mem>>
    %dma_start3A_222 = arith.constant 0 : i32
    %dma_start3A_223 = tpu.memref_slice %arg4[%add3A_211, %dma_start3A_222] : memref<32768x64xf32, #tpu.memory_space<hbm>> -> memref<128x64xf32, #tpu.memory_space<hbm>>
    %dma_start3A_224 = arith.constant 0 : i32
    %dma_start3A_225 = arith.constant 0 : i32
    %dma_start3A_226 = tpu.memref_slice %arg8[%dma_start3A_212, %dma_start3A_224, %dma_start3A_225] : memref<4x128x64xf32, #tpu.memory_space<vmem>> -> memref<1x128x64xf32, #tpu.memory_space<vmem>>
    %dma_start3A_227 = tpu.memref_squeeze %dma_start3A_226 : memref<1x128x64xf32, #tpu.memory_space<vmem>> -> memref<128x64xf32, #tpu.memory_space<vmem>>
    tpu.enqueue_dma source(%dma_start3A_227 : memref<128x64xf32, #tpu.memory_space<vmem>>) target(%dma_start3A_223 : memref<128x64xf32, #tpu.memory_space<hbm>>) target_semaphore(%dma_start3A_221 : memref<!tpu.dma_semaphore, #tpu.memory_space<semaphore_mem>>)
    %dma_start3A_228 = arith.constant 0 : i32
    %dma_start3A_229 = arith.constant 0 : i32
    %dma_start3A_230 = arith.constant 0 : i32
    %dma_start3A_231 = arith.constant 0 : i32
    %dma_start3A_232 = tpu.memref_slice %arg7[%dma_start3A_228, %dma_start3A_230, %dma_start3A_231] : memref<3x128x128xf32, #tpu.memory_space<vmem>> -> memref<1x128x128xf32, #tpu.memory_space<vmem>>
    %dma_start3A_233 = tpu.memref_squeeze %dma_start3A_232 : memref<1x128x128xf32, #tpu.memory_space<vmem>> -> memref<128x128xf32, #tpu.memory_space<vmem>>
    %dma_start3A_234 = arith.constant 768 : i32
    %dma_start3A_235 = tpu.memref_slice %arg6[%dma_start3A_234] : memref<1024xi32, #tpu.memory_space<vmem>> -> memref<128xi32, #tpu.memory_space<vmem>>
    %dma_start3A_236 = arith.constant 0 : i32
    %dma_start3A_237 = arith.constant 0 : i32
    %dma_start3A_238 = tpu.memref_slice %arg5[%dma_start3A_236, %dma_start3A_237] : memref<128x128xf32, #tpu.memory_space<vmem_shared>> -> memref<128x128xf32, #tpu.memory_space<vmem_shared>>
    %dma_start3A_239 = tpu.memref_slice %arg9[%dma_start3A_229] : memref<3x!tpu.dma_semaphore, #tpu.memory_space<semaphore_mem>> -> memref<1x!tpu.dma_semaphore, #tpu.memory_space<semaphore_mem>>
    %dma_start3A_240 = tpu.memref_squeeze %dma_start3A_239 : memref<1x!tpu.dma_semaphore, #tpu.memory_space<semaphore_mem>> -> memref<!tpu.dma_semaphore, #tpu.memory_space<semaphore_mem>>
    tpu.enqueue_indirect_dma source(%dma_start3A_238 : memref<128x128xf32, #tpu.memory_space<vmem_shared>>) target(%dma_start3A_233 : memref<128x128xf32, #tpu.memory_space<vmem>>) offsets(%dma_start3A_235 : memref<128xi32, #tpu.memory_space<vmem>>) semaphore(%dma_start3A_240 : memref<!tpu.dma_semaphore, #tpu.memory_space<semaphore_mem>>)
    %dma_wait3A_241 = arith.constant 1 : i32
    %dma_wait3A_242 = arith.constant 1 : i32
    %dma_wait3A_243 = arith.constant 0 : i32
    %dma_wait3A_244 = arith.constant 0 : i32
    %dma_wait3A_245 = tpu.memref_slice %arg7[%dma_wait3A_241, %dma_wait3A_243, %dma_wait3A_244] : memref<3x128x128xf32, #tpu.memory_space<vmem>> -> memref<1x128x128xf32, #tpu.memory_space<vmem>>
    %dma_wait3A_246 = tpu.memref_squeeze %dma_wait3A_245 : memref<1x128x128xf32, #tpu.memory_space<vmem>> -> memref<128x128xf32, #tpu.memory_space<vmem>>
    %dma_wait3A_247 = arith.constant 512 : i32
    %dma_wait3A_248 = tpu.memref_slice %arg6[%dma_wait3A_247] : memref<1024xi32, #tpu.memory_space<vmem>> -> memref<128xi32, #tpu.memory_space<vmem>>
    %dma_wait3A_249 = arith.constant 0 : i32
    %dma_wait3A_250 = arith.constant 0 : i32
    %dma_wait3A_251 = tpu.memref_slice %arg5[%dma_wait3A_249, %dma_wait3A_250] : memref<128x128xf32, #tpu.memory_space<vmem_shared>> -> memref<128x128xf32, #tpu.memory_space<vmem_shared>>
    %dma_wait3A_252 = tpu.memref_slice %arg9[%dma_wait3A_242] : memref<3x!tpu.dma_semaphore, #tpu.memory_space<semaphore_mem>> -> memref<1x!tpu.dma_semaphore, #tpu.memory_space<semaphore_mem>>
    %dma_wait3A_253 = tpu.memref_squeeze %dma_wait3A_252 : memref<1x!tpu.dma_semaphore, #tpu.memory_space<semaphore_mem>> -> memref<!tpu.dma_semaphore, #tpu.memory_space<semaphore_mem>>
    tpu.wait_indirect_dma semaphore(%dma_wait3A_253 : memref<!tpu.dma_semaphore, #tpu.memory_space<semaphore_mem>>) src(%dma_wait3A_251 : memref<128x128xf32, #tpu.memory_space<vmem_shared>>) dst(%dma_wait3A_246 : memref<128x128xf32, #tpu.memory_space<vmem>>)
    %dma_wait3A_254 = arith.constant 0 : i32
    %dma_wait3A_255 = arith.constant 0 : i32
    %dma_wait3A_256 = arith.constant 0 : i32
    %dma_wait3A_257 = arith.constant 0 : i32
    %dma_wait3A_258 = tpu.memref_slice %arg8[%dma_wait3A_254, %dma_wait3A_256, %dma_wait3A_257] : memref<4x128x64xf32, #tpu.memory_space<vmem>> -> memref<1x128x64xf32, #tpu.memory_space<vmem>>
    %dma_wait3A_259 = tpu.memref_squeeze %dma_wait3A_258 : memref<1x128x64xf32, #tpu.memory_space<vmem>> -> memref<128x64xf32, #tpu.memory_space<vmem>>
    %dma_wait3A_260 = arith.constant 0 : i32
    %dma_wait3A_261 = tpu.memref_slice %arg4[%add3A_61, %dma_wait3A_260] : memref<32768x64xf32, #tpu.memory_space<hbm>> -> memref<128x64xf32, #tpu.memory_space<hbm>>
    %dma_wait3A_262 = tpu.memref_slice %arg10[%dma_wait3A_255] : memref<4x!tpu.dma_semaphore, #tpu.memory_space<semaphore_mem>> -> memref<1x!tpu.dma_semaphore, #tpu.memory_space<semaphore_mem>>
    %dma_wait3A_263 = tpu.memref_squeeze %dma_wait3A_262 : memref<1x!tpu.dma_semaphore, #tpu.memory_space<semaphore_mem>> -> memref<!tpu.dma_semaphore, #tpu.memory_space<semaphore_mem>>
    %dma_wait3A_264 = arith.constant 0 : i32
    %dma_wait3A_265 = tpu.memref_slice %arg4[%add3A_61, %dma_wait3A_264] : memref<32768x64xf32, #tpu.memory_space<hbm>> -> memref<128x64xf32, #tpu.memory_space<hbm>>
    %dma_wait3A_266 = arith.constant 0 : i32
    %dma_wait3A_267 = arith.constant 0 : i32
    %dma_wait3A_268 = tpu.memref_slice %arg8[%dma_wait3A_254, %dma_wait3A_266, %dma_wait3A_267] : memref<4x128x64xf32, #tpu.memory_space<vmem>> -> memref<1x128x64xf32, #tpu.memory_space<vmem>>
    %dma_wait3A_269 = tpu.memref_squeeze %dma_wait3A_268 : memref<1x128x64xf32, #tpu.memory_space<vmem>> -> memref<128x64xf32, #tpu.memory_space<vmem>>
    tpu.wait_dma2 semaphore(%dma_wait3A_263 : memref<!tpu.dma_semaphore, #tpu.memory_space<semaphore_mem>>) src(%dma_wait3A_269 : memref<128x64xf32, #tpu.memory_space<vmem>>) dst(%dma_wait3A_265 : memref<128x64xf32, #tpu.memory_space<hbm>>)
    %scan3A_270 = arith.constant 0 : i32
    %scan3A_271 = arith.constant 0 : i32
    %scan3A_272 = arith.constant 128 : i32
    %scan3A_273 = arith.addi %scan3A_271, %scan3A_272 : i32
    %scan3A_274 = arith.constant 1 : i32
    scf.for %scan3A_530 = %scan3A_271 to %scan3A_273 step %scan3A_274  : i32 {
      %get3A = arith.constant 1 : i32
      %get3A_531 = arith.index_cast %get3A : i32 to index
      %get3A_532 = arith.index_cast %scan3A_530 : i32 to index
      %get3A_533 = arith.constant 0 : index
      %get3A_534 = tpu.vector_load %arg7[%get3A_531, %get3A_532, %get3A_533] {strides = array<i32>} : memref<3x128x128xf32, #tpu.memory_space<vmem>>, vector<1x1x16xf32>,
      %get3A_535 = vector.shape_cast %get3A_534 : vector<1x1x16xf32> to vector<16xf32>
      %swap3A = arith.constant 0 : i32
      %swap3A_536 = arith.index_cast %swap3A : i32 to index
      %swap3A_537 = arith.index_cast %scan3A_530 : i32 to index
      %swap3A_538 = arith.constant 0 : index
      %swap3A_539 = tpu.vector_load %arg8[%swap3A_536, %swap3A_537, %swap3A_538] {strides = array<i32>} : memref<4x128x64xf32, #tpu.memory_space<vmem>>, vector<1x1x16xf32>,
      %swap3A_540 = vector.shape_cast %swap3A_539 : vector<1x1x16xf32> to vector<16xf32>
      %swap3A_541 = vector.shape_cast %get3A_535 : vector<16xf32> to vector<1x1x16xf32>
      tpu.vector_store %arg8[%swap3A_536, %swap3A_537, %swap3A_538], %swap3A_541 {strides = array<i32>} : memref<4x128x64xf32, #tpu.memory_space<vmem>>, vector<1x1x16xf32>,
      %get3A_542 = arith.constant 1 : i32
      %get3A_543 = arith.index_cast %get3A_542 : i32 to index
      %get3A_544 = arith.index_cast %scan3A_530 : i32 to index
      %get3A_545 = arith.constant 16 : index
      %get3A_546 = tpu.vector_load %arg7[%get3A_543, %get3A_544, %get3A_545] {strides = array<i32>} : memref<3x128x128xf32, #tpu.memory_space<vmem>>, vector<1x1x16xf32>,
      %get3A_547 = vector.shape_cast %get3A_546 : vector<1x1x16xf32> to vector<16xf32>
      %swap3A_548 = arith.constant 0 : i32
      %swap3A_549 = arith.index_cast %swap3A_548 : i32 to index
      %swap3A_550 = arith.index_cast %scan3A_530 : i32 to index
      %swap3A_551 = arith.constant 16 : index
      %swap3A_552 = tpu.vector_load %arg8[%swap3A_549, %swap3A_550, %swap3A_551] {strides = array<i32>} : memref<4x128x64xf32, #tpu.memory_space<vmem>>, vector<1x1x16xf32>,
      %swap3A_553 = vector.shape_cast %swap3A_552 : vector<1x1x16xf32> to vector<16xf32>
      %swap3A_554 = vector.shape_cast %get3A_547 : vector<16xf32> to vector<1x1x16xf32>
      tpu.vector_store %arg8[%swap3A_549, %swap3A_550, %swap3A_551], %swap3A_554 {strides = array<i32>} : memref<4x128x64xf32, #tpu.memory_space<vmem>>, vector<1x1x16xf32>,
      %get3A_555 = arith.constant 1 : i32
      %get3A_556 = arith.index_cast %get3A_555 : i32 to index
      %get3A_557 = arith.index_cast %scan3A_530 : i32 to index
      %get3A_558 = arith.constant 32 : index
      %get3A_559 = tpu.vector_load %arg7[%get3A_556, %get3A_557, %get3A_558] {strides = array<i32>} : memref<3x128x128xf32, #tpu.memory_space<vmem>>, vector<1x1x16xf32>,
      %get3A_560 = vector.shape_cast %get3A_559 : vector<1x1x16xf32> to vector<16xf32>
      %swap3A_561 = arith.constant 0 : i32
      %swap3A_562 = arith.index_cast %swap3A_561 : i32 to index
      %swap3A_563 = arith.index_cast %scan3A_530 : i32 to index
      %swap3A_564 = arith.constant 32 : index
      %swap3A_565 = tpu.vector_load %arg8[%swap3A_562, %swap3A_563, %swap3A_564] {strides = array<i32>} : memref<4x128x64xf32, #tpu.memory_space<vmem>>, vector<1x1x16xf32>,
      %swap3A_566 = vector.shape_cast %swap3A_565 : vector<1x1x16xf32> to vector<16xf32>
      %swap3A_567 = vector.shape_cast %get3A_560 : vector<16xf32> to vector<1x1x16xf32>
      tpu.vector_store %arg8[%swap3A_562, %swap3A_563, %swap3A_564], %swap3A_567 {strides = array<i32>} : memref<4x128x64xf32, #tpu.memory_space<vmem>>, vector<1x1x16xf32>,
      %get3A_568 = arith.constant 1 : i32
      %get3A_569 = arith.index_cast %get3A_568 : i32 to index
      %get3A_570 = arith.index_cast %scan3A_530 : i32 to index
      %get3A_571 = arith.constant 48 : index
      %get3A_572 = tpu.vector_load %arg7[%get3A_569, %get3A_570, %get3A_571] {strides = array<i32>} : memref<3x128x128xf32, #tpu.memory_space<vmem>>, vector<1x1x16xf32>,
      %get3A_573 = vector.shape_cast %get3A_572 : vector<1x1x16xf32> to vector<16xf32>
      %swap3A_574 = arith.constant 0 : i32
      %swap3A_575 = arith.index_cast %swap3A_574 : i32 to index
      %swap3A_576 = arith.index_cast %scan3A_530 : i32 to index
      %swap3A_577 = arith.constant 48 : index
      %swap3A_578 = tpu.vector_load %arg8[%swap3A_575, %swap3A_576, %swap3A_577] {strides = array<i32>} : memref<4x128x64xf32, #tpu.memory_space<vmem>>, vector<1x1x16xf32>,
      %swap3A_579 = vector.shape_cast %swap3A_578 : vector<1x1x16xf32> to vector<16xf32>
      %swap3A_580 = vector.shape_cast %get3A_573 : vector<16xf32> to vector<1x1x16xf32>
      tpu.vector_store %arg8[%swap3A_575, %swap3A_576, %swap3A_577], %swap3A_580 {strides = array<i32>} : memref<4x128x64xf32, #tpu.memory_space<vmem>>, vector<1x1x16xf32>,
    }
    %scan3A_275 = arith.constant 128 : i32
    %add3A_276 = arith.constant 512 : i32
    %add3A_277 = arith.addi %mul3A_2, %add3A_276 : i32
    %dma_start3A_278 = arith.constant 0 : i32
    %dma_start3A_279 = arith.constant 0 : i32
    %dma_start3A_280 = arith.constant 0 : i32
    %dma_start3A_281 = arith.constant 0 : i32
    %dma_start3A_282 = tpu.memref_slice %arg8[%dma_start3A_278, %dma_start3A_280, %dma_start3A_281] : memref<4x128x64xf32, #tpu.memory_space<vmem>> -> memref<1x128x64xf32, #tpu.memory_space<vmem>>
    %dma_start3A_283 = tpu.memref_squeeze %dma_start3A_282 : memref<1x128x64xf32, #tpu.memory_space<vmem>> -> memref<128x64xf32, #tpu.memory_space<vmem>>
    %dma_start3A_284 = arith.constant 0 : i32
    %dma_start3A_285 = tpu.memref_slice %arg4[%add3A_277, %dma_start3A_284] : memref<32768x64xf32, #tpu.memory_space<hbm>> -> memref<128x64xf32, #tpu.memory_space<hbm>>
    %dma_start3A_286 = tpu.memref_slice %arg10[%dma_start3A_279] : memref<4x!tpu.dma_semaphore, #tpu.memory_space<semaphore_mem>> -> memref<1x!tpu.dma_semaphore, #tpu.memory_space<semaphore_mem>>
    %dma_start3A_287 = tpu.memref_squeeze %dma_start3A_286 : memref<1x!tpu.dma_semaphore, #tpu.memory_space<semaphore_mem>> -> memref<!tpu.dma_semaphore, #tpu.memory_space<semaphore_mem>>
    %dma_start3A_288 = arith.constant 0 : i32
    %dma_start3A_289 = tpu.memref_slice %arg4[%add3A_277, %dma_start3A_288] : memref<32768x64xf32, #tpu.memory_space<hbm>> -> memref<128x64xf32, #tpu.memory_space<hbm>>
    %dma_start3A_290 = arith.constant 0 : i32
    %dma_start3A_291 = arith.constant 0 : i32
    %dma_start3A_292 = tpu.memref_slice %arg8[%dma_start3A_278, %dma_start3A_290, %dma_start3A_291] : memref<4x128x64xf32, #tpu.memory_space<vmem>> -> memref<1x128x64xf32, #tpu.memory_space<vmem>>
    %dma_start3A_293 = tpu.memref_squeeze %dma_start3A_292 : memref<1x128x64xf32, #tpu.memory_space<vmem>> -> memref<128x64xf32, #tpu.memory_space<vmem>>
    tpu.enqueue_dma source(%dma_start3A_293 : memref<128x64xf32, #tpu.memory_space<vmem>>) target(%dma_start3A_289 : memref<128x64xf32, #tpu.memory_space<hbm>>) target_semaphore(%dma_start3A_287 : memref<!tpu.dma_semaphore, #tpu.memory_space<semaphore_mem>>)
    %dma_start3A_294 = arith.constant 1 : i32
    %dma_start3A_295 = arith.constant 1 : i32
    %dma_start3A_296 = arith.constant 0 : i32
    %dma_start3A_297 = arith.constant 0 : i32
    %dma_start3A_298 = tpu.memref_slice %arg7[%dma_start3A_294, %dma_start3A_296, %dma_start3A_297] : memref<3x128x128xf32, #tpu.memory_space<vmem>> -> memref<1x128x128xf32, #tpu.memory_space<vmem>>
    %dma_start3A_299 = tpu.memref_squeeze %dma_start3A_298 : memref<1x128x128xf32, #tpu.memory_space<vmem>> -> memref<128x128xf32, #tpu.memory_space<vmem>>
    %dma_start3A_300 = arith.constant 896 : i32
    %dma_start3A_301 = tpu.memref_slice %arg6[%dma_start3A_300] : memref<1024xi32, #tpu.memory_space<vmem>> -> memref<128xi32, #tpu.memory_space<vmem>>
    %dma_start3A_302 = arith.constant 0 : i32
    %dma_start3A_303 = arith.constant 0 : i32
    %dma_start3A_304 = tpu.memref_slice %arg5[%dma_start3A_302, %dma_start3A_303] : memref<128x128xf32, #tpu.memory_space<vmem_shared>> -> memref<128x128xf32, #tpu.memory_space<vmem_shared>>
    %dma_start3A_305 = tpu.memref_slice %arg9[%dma_start3A_295] : memref<3x!tpu.dma_semaphore, #tpu.memory_space<semaphore_mem>> -> memref<1x!tpu.dma_semaphore, #tpu.memory_space<semaphore_mem>>
    %dma_start3A_306 = tpu.memref_squeeze %dma_start3A_305 : memref<1x!tpu.dma_semaphore, #tpu.memory_space<semaphore_mem>> -> memref<!tpu.dma_semaphore, #tpu.memory_space<semaphore_mem>>
    tpu.enqueue_indirect_dma source(%dma_start3A_304 : memref<128x128xf32, #tpu.memory_space<vmem_shared>>) target(%dma_start3A_299 : memref<128x128xf32, #tpu.memory_space<vmem>>) offsets(%dma_start3A_301 : memref<128xi32, #tpu.memory_space<vmem>>) semaphore(%dma_start3A_306 : memref<!tpu.dma_semaphore, #tpu.memory_space<semaphore_mem>>)
    %dma_wait3A_307 = arith.constant 2 : i32
    %dma_wait3A_308 = arith.constant 2 : i32
    %dma_wait3A_309 = arith.constant 0 : i32
    %dma_wait3A_310 = arith.constant 0 : i32
    %dma_wait3A_311 = tpu.memref_slice %arg7[%dma_wait3A_307, %dma_wait3A_309, %dma_wait3A_310] : memref<3x128x128xf32, #tpu.memory_space<vmem>> -> memref<1x128x128xf32, #tpu.memory_space<vmem>>
    %dma_wait3A_312 = tpu.memref_squeeze %dma_wait3A_311 : memref<1x128x128xf32, #tpu.memory_space<vmem>> -> memref<128x128xf32, #tpu.memory_space<vmem>>
    %dma_wait3A_313 = arith.constant 640 : i32
    %dma_wait3A_314 = tpu.memref_slice %arg6[%dma_wait3A_313] : memref<1024xi32, #tpu.memory_space<vmem>> -> memref<128xi32, #tpu.memory_space<vmem>>
    %dma_wait3A_315 = arith.constant 0 : i32
    %dma_wait3A_316 = arith.constant 0 : i32
    %dma_wait3A_317 = tpu.memref_slice %arg5[%dma_wait3A_315, %dma_wait3A_316] : memref<128x128xf32, #tpu.memory_space<vmem_shared>> -> memref<128x128xf32, #tpu.memory_space<vmem_shared>>
    %dma_wait3A_318 = tpu.memref_slice %arg9[%dma_wait3A_308] : memref<3x!tpu.dma_semaphore, #tpu.memory_space<semaphore_mem>> -> memref<1x!tpu.dma_semaphore, #tpu.memory_space<semaphore_mem>>
    %dma_wait3A_319 = tpu.memref_squeeze %dma_wait3A_318 : memref<1x!tpu.dma_semaphore, #tpu.memory_space<semaphore_mem>> -> memref<!tpu.dma_semaphore, #tpu.memory_space<semaphore_mem>>
    tpu.wait_indirect_dma semaphore(%dma_wait3A_319 : memref<!tpu.dma_semaphore, #tpu.memory_space<semaphore_mem>>) src(%dma_wait3A_317 : memref<128x128xf32, #tpu.memory_space<vmem_shared>>) dst(%dma_wait3A_312 : memref<128x128xf32, #tpu.memory_space<vmem>>)
    %dma_wait3A_320 = arith.constant 1 : i32
    %dma_wait3A_321 = arith.constant 1 : i32
    %dma_wait3A_322 = arith.constant 0 : i32
    %dma_wait3A_323 = arith.constant 0 : i32
    %dma_wait3A_324 = tpu.memref_slice %arg8[%dma_wait3A_320, %dma_wait3A_322, %dma_wait3A_323] : memref<4x128x64xf32, #tpu.memory_space<vmem>> -> memref<1x128x64xf32, #tpu.memory_space<vmem>>
    %dma_wait3A_325 = tpu.memref_squeeze %dma_wait3A_324 : memref<1x128x64xf32, #tpu.memory_space<vmem>> -> memref<128x64xf32, #tpu.memory_space<vmem>>
    %dma_wait3A_326 = arith.constant 0 : i32
    %dma_wait3A_327 = tpu.memref_slice %arg4[%add3A_111, %dma_wait3A_326] : memref<32768x64xf32, #tpu.memory_space<hbm>> -> memref<128x64xf32, #tpu.memory_space<hbm>>
    %dma_wait3A_328 = tpu.memref_slice %arg10[%dma_wait3A_321] : memref<4x!tpu.dma_semaphore, #tpu.memory_space<semaphore_mem>> -> memref<1x!tpu.dma_semaphore, #tpu.memory_space<semaphore_mem>>
    %dma_wait3A_329 = tpu.memref_squeeze %dma_wait3A_328 : memref<1x!tpu.dma_semaphore, #tpu.memory_space<semaphore_mem>> -> memref<!tpu.dma_semaphore, #tpu.memory_space<semaphore_mem>>
    %dma_wait3A_330 = arith.constant 0 : i32
    %dma_wait3A_331 = tpu.memref_slice %arg4[%add3A_111, %dma_wait3A_330] : memref<32768x64xf32, #tpu.memory_space<hbm>> -> memref<128x64xf32, #tpu.memory_space<hbm>>
    %dma_wait3A_332 = arith.constant 0 : i32
    %dma_wait3A_333 = arith.constant 0 : i32
    %dma_wait3A_334 = tpu.memref_slice %arg8[%dma_wait3A_320, %dma_wait3A_332, %dma_wait3A_333] : memref<4x128x64xf32, #tpu.memory_space<vmem>> -> memref<1x128x64xf32, #tpu.memory_space<vmem>>
    %dma_wait3A_335 = tpu.memref_squeeze %dma_wait3A_334 : memref<1x128x64xf32, #tpu.memory_space<vmem>> -> memref<128x64xf32, #tpu.memory_space<vmem>>
    tpu.wait_dma2 semaphore(%dma_wait3A_329 : memref<!tpu.dma_semaphore, #tpu.memory_space<semaphore_mem>>) src(%dma_wait3A_335 : memref<128x64xf32, #tpu.memory_space<vmem>>) dst(%dma_wait3A_331 : memref<128x64xf32, #tpu.memory_space<hbm>>)
    %scan3A_336 = arith.constant 0 : i32
    %scan3A_337 = arith.constant 0 : i32
    %scan3A_338 = arith.constant 128 : i32
    %scan3A_339 = arith.addi %scan3A_337, %scan3A_338 : i32
    %scan3A_340 = arith.constant 1 : i32
    scf.for %scan3A_530 = %scan3A_337 to %scan3A_339 step %scan3A_340  : i32 {
      %get3A = arith.constant 2 : i32
      %get3A_531 = arith.index_cast %get3A : i32 to index
      %get3A_532 = arith.index_cast %scan3A_530 : i32 to index
      %get3A_533 = arith.constant 0 : index
      %get3A_534 = tpu.vector_load %arg7[%get3A_531, %get3A_532, %get3A_533] {strides = array<i32>} : memref<3x128x128xf32, #tpu.memory_space<vmem>>, vector<1x1x16xf32>,
      %get3A_535 = vector.shape_cast %get3A_534 : vector<1x1x16xf32> to vector<16xf32>
      %swap3A = arith.constant 1 : i32
      %swap3A_536 = arith.index_cast %swap3A : i32 to index
      %swap3A_537 = arith.index_cast %scan3A_530 : i32 to index
      %swap3A_538 = arith.constant 0 : index
      %swap3A_539 = tpu.vector_load %arg8[%swap3A_536, %swap3A_537, %swap3A_538] {strides = array<i32>} : memref<4x128x64xf32, #tpu.memory_space<vmem>>, vector<1x1x16xf32>,
      %swap3A_540 = vector.shape_cast %swap3A_539 : vector<1x1x16xf32> to vector<16xf32>
      %swap3A_541 = vector.shape_cast %get3A_535 : vector<16xf32> to vector<1x1x16xf32>
      tpu.vector_store %arg8[%swap3A_536, %swap3A_537, %swap3A_538], %swap3A_541 {strides = array<i32>} : memref<4x128x64xf32, #tpu.memory_space<vmem>>, vector<1x1x16xf32>,
      %get3A_542 = arith.constant 2 : i32
      %get3A_543 = arith.index_cast %get3A_542 : i32 to index
      %get3A_544 = arith.index_cast %scan3A_530 : i32 to index
      %get3A_545 = arith.constant 16 : index
      %get3A_546 = tpu.vector_load %arg7[%get3A_543, %get3A_544, %get3A_545] {strides = array<i32>} : memref<3x128x128xf32, #tpu.memory_space<vmem>>, vector<1x1x16xf32>,
      %get3A_547 = vector.shape_cast %get3A_546 : vector<1x1x16xf32> to vector<16xf32>
      %swap3A_548 = arith.constant 1 : i32
      %swap3A_549 = arith.index_cast %swap3A_548 : i32 to index
      %swap3A_550 = arith.index_cast %scan3A_530 : i32 to index
      %swap3A_551 = arith.constant 16 : index
      %swap3A_552 = tpu.vector_load %arg8[%swap3A_549, %swap3A_550, %swap3A_551] {strides = array<i32>} : memref<4x128x64xf32, #tpu.memory_space<vmem>>, vector<1x1x16xf32>,
      %swap3A_553 = vector.shape_cast %swap3A_552 : vector<1x1x16xf32> to vector<16xf32>
      %swap3A_554 = vector.shape_cast %get3A_547 : vector<16xf32> to vector<1x1x16xf32>
      tpu.vector_store %arg8[%swap3A_549, %swap3A_550, %swap3A_551], %swap3A_554 {strides = array<i32>} : memref<4x128x64xf32, #tpu.memory_space<vmem>>, vector<1x1x16xf32>,
      %get3A_555 = arith.constant 2 : i32
      %get3A_556 = arith.index_cast %get3A_555 : i32 to index
      %get3A_557 = arith.index_cast %scan3A_530 : i32 to index
      %get3A_558 = arith.constant 32 : index
      %get3A_559 = tpu.vector_load %arg7[%get3A_556, %get3A_557, %get3A_558] {strides = array<i32>} : memref<3x128x128xf32, #tpu.memory_space<vmem>>, vector<1x1x16xf32>,
      %get3A_560 = vector.shape_cast %get3A_559 : vector<1x1x16xf32> to vector<16xf32>
      %swap3A_561 = arith.constant 1 : i32
      %swap3A_562 = arith.index_cast %swap3A_561 : i32 to index
      %swap3A_563 = arith.index_cast %scan3A_530 : i32 to index
      %swap3A_564 = arith.constant 32 : index
      %swap3A_565 = tpu.vector_load %arg8[%swap3A_562, %swap3A_563, %swap3A_564] {strides = array<i32>} : memref<4x128x64xf32, #tpu.memory_space<vmem>>, vector<1x1x16xf32>,
      %swap3A_566 = vector.shape_cast %swap3A_565 : vector<1x1x16xf32> to vector<16xf32>
      %swap3A_567 = vector.shape_cast %get3A_560 : vector<16xf32> to vector<1x1x16xf32>
      tpu.vector_store %arg8[%swap3A_562, %swap3A_563, %swap3A_564], %swap3A_567 {strides = array<i32>} : memref<4x128x64xf32, #tpu.memory_space<vmem>>, vector<1x1x16xf32>,
      %get3A_568 = arith.constant 2 : i32
      %get3A_569 = arith.index_cast %get3A_568 : i32 to index
      %get3A_570 = arith.index_cast %scan3A_530 : i32 to index
      %get3A_571 = arith.constant 48 : index
      %get3A_572 = tpu.vector_load %arg7[%get3A_569, %get3A_570, %get3A_571] {strides = array<i32>} : memref<3x128x128xf32, #tpu.memory_space<vmem>>, vector<1x1x16xf32>,
      %get3A_573 = vector.shape_cast %get3A_572 : vector<1x1x16xf32> to vector<16xf32>
      %swap3A_574 = arith.constant 1 : i32
      %swap3A_575 = arith.index_cast %swap3A_574 : i32 to index
      %swap3A_576 = arith.index_cast %scan3A_530 : i32 to index
      %swap3A_577 = arith.constant 48 : index
      %swap3A_578 = tpu.vector_load %arg8[%swap3A_575, %swap3A_576, %swap3A_577] {strides = array<i32>} : memref<4x128x64xf32, #tpu.memory_space<vmem>>, vector<1x1x16xf32>,
      %swap3A_579 = vector.shape_cast %swap3A_578 : vector<1x1x16xf32> to vector<16xf32>
      %swap3A_580 = vector.shape_cast %get3A_573 : vector<16xf32> to vector<1x1x16xf32>
      tpu.vector_store %arg8[%swap3A_575, %swap3A_576, %swap3A_577], %swap3A_580 {strides = array<i32>} : memref<4x128x64xf32, #tpu.memory_space<vmem>>, vector<1x1x16xf32>,
    }
    %scan3A_341 = arith.constant 128 : i32
    %add3A_342 = arith.constant 640 : i32
    %add3A_343 = arith.addi %mul3A_2, %add3A_342 : i32
    %dma_start3A_344 = arith.constant 1 : i32
    %dma_start3A_345 = arith.constant 1 : i32
    %dma_start3A_346 = arith.constant 0 : i32
    %dma_start3A_347 = arith.constant 0 : i32
    %dma_start3A_348 = tpu.memref_slice %arg8[%dma_start3A_344, %dma_start3A_346, %dma_start3A_347] : memref<4x128x64xf32, #tpu.memory_space<vmem>> -> memref<1x128x64xf32, #tpu.memory_space<vmem>>
    %dma_start3A_349 = tpu.memref_squeeze %dma_start3A_348 : memref<1x128x64xf32, #tpu.memory_space<vmem>> -> memref<128x64xf32, #tpu.memory_space<vmem>>
    %dma_start3A_350 = arith.constant 0 : i32
    %dma_start3A_351 = tpu.memref_slice %arg4[%add3A_343, %dma_start3A_350] : memref<32768x64xf32, #tpu.memory_space<hbm>> -> memref<128x64xf32, #tpu.memory_space<hbm>>
    %dma_start3A_352 = tpu.memref_slice %arg10[%dma_start3A_345] : memref<4x!tpu.dma_semaphore, #tpu.memory_space<semaphore_mem>> -> memref<1x!tpu.dma_semaphore, #tpu.memory_space<semaphore_mem>>
    %dma_start3A_353 = tpu.memref_squeeze %dma_start3A_352 : memref<1x!tpu.dma_semaphore, #tpu.memory_space<semaphore_mem>> -> memref<!tpu.dma_semaphore, #tpu.memory_space<semaphore_mem>>
    %dma_start3A_354 = arith.constant 0 : i32
    %dma_start3A_355 = tpu.memref_slice %arg4[%add3A_343, %dma_start3A_354] : memref<32768x64xf32, #tpu.memory_space<hbm>> -> memref<128x64xf32, #tpu.memory_space<hbm>>
    %dma_start3A_356 = arith.constant 0 : i32
    %dma_start3A_357 = arith.constant 0 : i32
    %dma_start3A_358 = tpu.memref_slice %arg8[%dma_start3A_344, %dma_start3A_356, %dma_start3A_357] : memref<4x128x64xf32, #tpu.memory_space<vmem>> -> memref<1x128x64xf32, #tpu.memory_space<vmem>>
    %dma_start3A_359 = tpu.memref_squeeze %dma_start3A_358 : memref<1x128x64xf32, #tpu.memory_space<vmem>> -> memref<128x64xf32, #tpu.memory_space<vmem>>
    tpu.enqueue_dma source(%dma_start3A_359 : memref<128x64xf32, #tpu.memory_space<vmem>>) target(%dma_start3A_355 : memref<128x64xf32, #tpu.memory_space<hbm>>) target_semaphore(%dma_start3A_353 : memref<!tpu.dma_semaphore, #tpu.memory_space<semaphore_mem>>)
    %dma_wait3A_360 = arith.constant 0 : i32
    %dma_wait3A_361 = arith.constant 0 : i32
    %dma_wait3A_362 = arith.constant 0 : i32
    %dma_wait3A_363 = arith.constant 0 : i32
    %dma_wait3A_364 = tpu.memref_slice %arg7[%dma_wait3A_360, %dma_wait3A_362, %dma_wait3A_363] : memref<3x128x128xf32, #tpu.memory_space<vmem>> -> memref<1x128x128xf32, #tpu.memory_space<vmem>>
    %dma_wait3A_365 = tpu.memref_squeeze %dma_wait3A_364 : memref<1x128x128xf32, #tpu.memory_space<vmem>> -> memref<128x128xf32, #tpu.memory_space<vmem>>
    %dma_wait3A_366 = arith.constant 768 : i32
    %dma_wait3A_367 = tpu.memref_slice %arg6[%dma_wait3A_366] : memref<1024xi32, #tpu.memory_space<vmem>> -> memref<128xi32, #tpu.memory_space<vmem>>
    %dma_wait3A_368 = arith.constant 0 : i32
    %dma_wait3A_369 = arith.constant 0 : i32
    %dma_wait3A_370 = tpu.memref_slice %arg5[%dma_wait3A_368, %dma_wait3A_369] : memref<128x128xf32, #tpu.memory_space<vmem_shared>> -> memref<128x128xf32, #tpu.memory_space<vmem_shared>>
    %dma_wait3A_371 = tpu.memref_slice %arg9[%dma_wait3A_361] : memref<3x!tpu.dma_semaphore, #tpu.memory_space<semaphore_mem>> -> memref<1x!tpu.dma_semaphore, #tpu.memory_space<semaphore_mem>>
    %dma_wait3A_372 = tpu.memref_squeeze %dma_wait3A_371 : memref<1x!tpu.dma_semaphore, #tpu.memory_space<semaphore_mem>> -> memref<!tpu.dma_semaphore, #tpu.memory_space<semaphore_mem>>
    tpu.wait_indirect_dma semaphore(%dma_wait3A_372 : memref<!tpu.dma_semaphore, #tpu.memory_space<semaphore_mem>>) src(%dma_wait3A_370 : memref<128x128xf32, #tpu.memory_space<vmem_shared>>) dst(%dma_wait3A_365 : memref<128x128xf32, #tpu.memory_space<vmem>>)
    %dma_wait3A_373 = arith.constant 2 : i32
    %dma_wait3A_374 = arith.constant 2 : i32
    %dma_wait3A_375 = arith.constant 0 : i32
    %dma_wait3A_376 = arith.constant 0 : i32
    %dma_wait3A_377 = tpu.memref_slice %arg8[%dma_wait3A_373, %dma_wait3A_375, %dma_wait3A_376] : memref<4x128x64xf32, #tpu.memory_space<vmem>> -> memref<1x128x64xf32, #tpu.memory_space<vmem>>
    %dma_wait3A_378 = tpu.memref_squeeze %dma_wait3A_377 : memref<1x128x64xf32, #tpu.memory_space<vmem>> -> memref<128x64xf32, #tpu.memory_space<vmem>>
    %dma_wait3A_379 = arith.constant 0 : i32
    %dma_wait3A_380 = tpu.memref_slice %arg4[%add3A_161, %dma_wait3A_379] : memref<32768x64xf32, #tpu.memory_space<hbm>> -> memref<128x64xf32, #tpu.memory_space<hbm>>
    %dma_wait3A_381 = tpu.memref_slice %arg10[%dma_wait3A_374] : memref<4x!tpu.dma_semaphore, #tpu.memory_space<semaphore_mem>> -> memref<1x!tpu.dma_semaphore, #tpu.memory_space<semaphore_mem>>
    %dma_wait3A_382 = tpu.memref_squeeze %dma_wait3A_381 : memref<1x!tpu.dma_semaphore, #tpu.memory_space<semaphore_mem>> -> memref<!tpu.dma_semaphore, #tpu.memory_space<semaphore_mem>>
    %dma_wait3A_383 = arith.constant 0 : i32
    %dma_wait3A_384 = tpu.memref_slice %arg4[%add3A_161, %dma_wait3A_383] : memref<32768x64xf32, #tpu.memory_space<hbm>> -> memref<128x64xf32, #tpu.memory_space<hbm>>
    %dma_wait3A_385 = arith.constant 0 : i32
    %dma_wait3A_386 = arith.constant 0 : i32
    %dma_wait3A_387 = tpu.memref_slice %arg8[%dma_wait3A_373, %dma_wait3A_385, %dma_wait3A_386] : memref<4x128x64xf32, #tpu.memory_space<vmem>> -> memref<1x128x64xf32, #tpu.memory_space<vmem>>
    %dma_wait3A_388 = tpu.memref_squeeze %dma_wait3A_387 : memref<1x128x64xf32, #tpu.memory_space<vmem>> -> memref<128x64xf32, #tpu.memory_space<vmem>>
    tpu.wait_dma2 semaphore(%dma_wait3A_382 : memref<!tpu.dma_semaphore, #tpu.memory_space<semaphore_mem>>) src(%dma_wait3A_388 : memref<128x64xf32, #tpu.memory_space<vmem>>) dst(%dma_wait3A_384 : memref<128x64xf32, #tpu.memory_space<hbm>>)
    %scan3A_389 = arith.constant 0 : i32
    %scan3A_390 = arith.constant 0 : i32
    %scan3A_391 = arith.constant 128 : i32
    %scan3A_392 = arith.addi %scan3A_390, %scan3A_391 : i32
    %scan3A_393 = arith.constant 1 : i32
    scf.for %scan3A_530 = %scan3A_390 to %scan3A_392 step %scan3A_393  : i32 {
      %get3A = arith.constant 0 : i32
      %get3A_531 = arith.index_cast %get3A : i32 to index
      %get3A_532 = arith.index_cast %scan3A_530 : i32 to index
      %get3A_533 = arith.constant 0 : index
      %get3A_534 = tpu.vector_load %arg7[%get3A_531, %get3A_532, %get3A_533] {strides = array<i32>} : memref<3x128x128xf32, #tpu.memory_space<vmem>>, vector<1x1x16xf32>,
      %get3A_535 = vector.shape_cast %get3A_534 : vector<1x1x16xf32> to vector<16xf32>
      %swap3A = arith.constant 2 : i32
      %swap3A_536 = arith.index_cast %swap3A : i32 to index
      %swap3A_537 = arith.index_cast %scan3A_530 : i32 to index
      %swap3A_538 = arith.constant 0 : index
      %swap3A_539 = tpu.vector_load %arg8[%swap3A_536, %swap3A_537, %swap3A_538] {strides = array<i32>} : memref<4x128x64xf32, #tpu.memory_space<vmem>>, vector<1x1x16xf32>,
      %swap3A_540 = vector.shape_cast %swap3A_539 : vector<1x1x16xf32> to vector<16xf32>
      %swap3A_541 = vector.shape_cast %get3A_535 : vector<16xf32> to vector<1x1x16xf32>
      tpu.vector_store %arg8[%swap3A_536, %swap3A_537, %swap3A_538], %swap3A_541 {strides = array<i32>} : memref<4x128x64xf32, #tpu.memory_space<vmem>>, vector<1x1x16xf32>,
      %get3A_542 = arith.constant 0 : i32
      %get3A_543 = arith.index_cast %get3A_542 : i32 to index
      %get3A_544 = arith.index_cast %scan3A_530 : i32 to index
      %get3A_545 = arith.constant 16 : index
      %get3A_546 = tpu.vector_load %arg7[%get3A_543, %get3A_544, %get3A_545] {strides = array<i32>} : memref<3x128x128xf32, #tpu.memory_space<vmem>>, vector<1x1x16xf32>,
      %get3A_547 = vector.shape_cast %get3A_546 : vector<1x1x16xf32> to vector<16xf32>
      %swap3A_548 = arith.constant 2 : i32
      %swap3A_549 = arith.index_cast %swap3A_548 : i32 to index
      %swap3A_550 = arith.index_cast %scan3A_530 : i32 to index
      %swap3A_551 = arith.constant 16 : index
      %swap3A_552 = tpu.vector_load %arg8[%swap3A_549, %swap3A_550, %swap3A_551] {strides = array<i32>} : memref<4x128x64xf32, #tpu.memory_space<vmem>>, vector<1x1x16xf32>,
      %swap3A_553 = vector.shape_cast %swap3A_552 : vector<1x1x16xf32> to vector<16xf32>
      %swap3A_554 = vector.shape_cast %get3A_547 : vector<16xf32> to vector<1x1x16xf32>
      tpu.vector_store %arg8[%swap3A_549, %swap3A_550, %swap3A_551], %swap3A_554 {strides = array<i32>} : memref<4x128x64xf32, #tpu.memory_space<vmem>>, vector<1x1x16xf32>,
      %get3A_555 = arith.constant 0 : i32
      %get3A_556 = arith.index_cast %get3A_555 : i32 to index
      %get3A_557 = arith.index_cast %scan3A_530 : i32 to index
      %get3A_558 = arith.constant 32 : index
      %get3A_559 = tpu.vector_load %arg7[%get3A_556, %get3A_557, %get3A_558] {strides = array<i32>} : memref<3x128x128xf32, #tpu.memory_space<vmem>>, vector<1x1x16xf32>,
      %get3A_560 = vector.shape_cast %get3A_559 : vector<1x1x16xf32> to vector<16xf32>
      %swap3A_561 = arith.constant 2 : i32
      %swap3A_562 = arith.index_cast %swap3A_561 : i32 to index
      %swap3A_563 = arith.index_cast %scan3A_530 : i32 to index
      %swap3A_564 = arith.constant 32 : index
      %swap3A_565 = tpu.vector_load %arg8[%swap3A_562, %swap3A_563, %swap3A_564] {strides = array<i32>} : memref<4x128x64xf32, #tpu.memory_space<vmem>>, vector<1x1x16xf32>,
      %swap3A_566 = vector.shape_cast %swap3A_565 : vector<1x1x16xf32> to vector<16xf32>
      %swap3A_567 = vector.shape_cast %get3A_560 : vector<16xf32> to vector<1x1x16xf32>
      tpu.vector_store %arg8[%swap3A_562, %swap3A_563, %swap3A_564], %swap3A_567 {strides = array<i32>} : memref<4x128x64xf32, #tpu.memory_space<vmem>>, vector<1x1x16xf32>,
      %get3A_568 = arith.constant 0 : i32
      %get3A_569 = arith.index_cast %get3A_568 : i32 to index
      %get3A_570 = arith.index_cast %scan3A_530 : i32 to index
      %get3A_571 = arith.constant 48 : index
      %get3A_572 = tpu.vector_load %arg7[%get3A_569, %get3A_570, %get3A_571] {strides = array<i32>} : memref<3x128x128xf32, #tpu.memory_space<vmem>>, vector<1x1x16xf32>,
      %get3A_573 = vector.shape_cast %get3A_572 : vector<1x1x16xf32> to vector<16xf32>
      %swap3A_574 = arith.constant 2 : i32
      %swap3A_575 = arith.index_cast %swap3A_574 : i32 to index
      %swap3A_576 = arith.index_cast %scan3A_530 : i32 to index
      %swap3A_577 = arith.constant 48 : index
      %swap3A_578 = tpu.vector_load %arg8[%swap3A_575, %swap3A_576, %swap3A_577] {strides = array<i32>} : memref<4x128x64xf32, #tpu.memory_space<vmem>>, vector<1x1x16xf32>,
      %swap3A_579 = vector.shape_cast %swap3A_578 : vector<1x1x16xf32> to vector<16xf32>
      %swap3A_580 = vector.shape_cast %get3A_573 : vector<16xf32> to vector<1x1x16xf32>
      tpu.vector_store %arg8[%swap3A_575, %swap3A_576, %swap3A_577], %swap3A_580 {strides = array<i32>} : memref<4x128x64xf32, #tpu.memory_space<vmem>>, vector<1x1x16xf32>,
    }
    %scan3A_394 = arith.constant 128 : i32
    %add3A_395 = arith.constant 768 : i32
    %add3A_396 = arith.addi %mul3A_2, %add3A_395 : i32
    %dma_start3A_397 = arith.constant 2 : i32
    %dma_start3A_398 = arith.constant 2 : i32
    %dma_start3A_399 = arith.constant 0 : i32
    %dma_start3A_400 = arith.constant 0 : i32
    %dma_start3A_401 = tpu.memref_slice %arg8[%dma_start3A_397, %dma_start3A_399, %dma_start3A_400] : memref<4x128x64xf32, #tpu.memory_space<vmem>> -> memref<1x128x64xf32, #tpu.memory_space<vmem>>
    %dma_start3A_402 = tpu.memref_squeeze %dma_start3A_401 : memref<1x128x64xf32, #tpu.memory_space<vmem>> -> memref<128x64xf32, #tpu.memory_space<vmem>>
    %dma_start3A_403 = arith.constant 0 : i32
    %dma_start3A_404 = tpu.memref_slice %arg4[%add3A_396, %dma_start3A_403] : memref<32768x64xf32, #tpu.memory_space<hbm>> -> memref<128x64xf32, #tpu.memory_space<hbm>>
    %dma_start3A_405 = tpu.memref_slice %arg10[%dma_start3A_398] : memref<4x!tpu.dma_semaphore, #tpu.memory_space<semaphore_mem>> -> memref<1x!tpu.dma_semaphore, #tpu.memory_space<semaphore_mem>>
    %dma_start3A_406 = tpu.memref_squeeze %dma_start3A_405 : memref<1x!tpu.dma_semaphore, #tpu.memory_space<semaphore_mem>> -> memref<!tpu.dma_semaphore, #tpu.memory_space<semaphore_mem>>
    %dma_start3A_407 = arith.constant 0 : i32
    %dma_start3A_408 = tpu.memref_slice %arg4[%add3A_396, %dma_start3A_407] : memref<32768x64xf32, #tpu.memory_space<hbm>> -> memref<128x64xf32, #tpu.memory_space<hbm>>
    %dma_start3A_409 = arith.constant 0 : i32
    %dma_start3A_410 = arith.constant 0 : i32
    %dma_start3A_411 = tpu.memref_slice %arg8[%dma_start3A_397, %dma_start3A_409, %dma_start3A_410] : memref<4x128x64xf32, #tpu.memory_space<vmem>> -> memref<1x128x64xf32, #tpu.memory_space<vmem>>
    %dma_start3A_412 = tpu.memref_squeeze %dma_start3A_411 : memref<1x128x64xf32, #tpu.memory_space<vmem>> -> memref<128x64xf32, #tpu.memory_space<vmem>>
    tpu.enqueue_dma source(%dma_start3A_412 : memref<128x64xf32, #tpu.memory_space<vmem>>) target(%dma_start3A_408 : memref<128x64xf32, #tpu.memory_space<hbm>>) target_semaphore(%dma_start3A_406 : memref<!tpu.dma_semaphore, #tpu.memory_space<semaphore_mem>>)
    %dma_wait3A_413 = arith.constant 1 : i32
    %dma_wait3A_414 = arith.constant 1 : i32
    %dma_wait3A_415 = arith.constant 0 : i32
    %dma_wait3A_416 = arith.constant 0 : i32
    %dma_wait3A_417 = tpu.memref_slice %arg7[%dma_wait3A_413, %dma_wait3A_415, %dma_wait3A_416] : memref<3x128x128xf32, #tpu.memory_space<vmem>> -> memref<1x128x128xf32, #tpu.memory_space<vmem>>
    %dma_wait3A_418 = tpu.memref_squeeze %dma_wait3A_417 : memref<1x128x128xf32, #tpu.memory_space<vmem>> -> memref<128x128xf32, #tpu.memory_space<vmem>>
    %dma_wait3A_419 = arith.constant 896 : i32
    %dma_wait3A_420 = tpu.memref_slice %arg6[%dma_wait3A_419] : memref<1024xi32, #tpu.memory_space<vmem>> -> memref<128xi32, #tpu.memory_space<vmem>>
    %dma_wait3A_421 = arith.constant 0 : i32
    %dma_wait3A_422 = arith.constant 0 : i32
    %dma_wait3A_423 = tpu.memref_slice %arg5[%dma_wait3A_421, %dma_wait3A_422] : memref<128x128xf32, #tpu.memory_space<vmem_shared>> -> memref<128x128xf32, #tpu.memory_space<vmem_shared>>
    %dma_wait3A_424 = tpu.memref_slice %arg9[%dma_wait3A_414] : memref<3x!tpu.dma_semaphore, #tpu.memory_space<semaphore_mem>> -> memref<1x!tpu.dma_semaphore, #tpu.memory_space<semaphore_mem>>
    %dma_wait3A_425 = tpu.memref_squeeze %dma_wait3A_424 : memref<1x!tpu.dma_semaphore, #tpu.memory_space<semaphore_mem>> -> memref<!tpu.dma_semaphore, #tpu.memory_space<semaphore_mem>>
    tpu.wait_indirect_dma semaphore(%dma_wait3A_425 : memref<!tpu.dma_semaphore, #tpu.memory_space<semaphore_mem>>) src(%dma_wait3A_423 : memref<128x128xf32, #tpu.memory_space<vmem_shared>>) dst(%dma_wait3A_418 : memref<128x128xf32, #tpu.memory_space<vmem>>)
    %dma_wait3A_426 = arith.constant 3 : i32
    %dma_wait3A_427 = arith.constant 3 : i32
    %dma_wait3A_428 = arith.constant 0 : i32
    %dma_wait3A_429 = arith.constant 0 : i32
    %dma_wait3A_430 = tpu.memref_slice %arg8[%dma_wait3A_426, %dma_wait3A_428, %dma_wait3A_429] : memref<4x128x64xf32, #tpu.memory_space<vmem>> -> memref<1x128x64xf32, #tpu.memory_space<vmem>>
    %dma_wait3A_431 = tpu.memref_squeeze %dma_wait3A_430 : memref<1x128x64xf32, #tpu.memory_space<vmem>> -> memref<128x64xf32, #tpu.memory_space<vmem>>
    %dma_wait3A_432 = arith.constant 0 : i32
    %dma_wait3A_433 = tpu.memref_slice %arg4[%add3A_211, %dma_wait3A_432] : memref<32768x64xf32, #tpu.memory_space<hbm>> -> memref<128x64xf32, #tpu.memory_space<hbm>>
    %dma_wait3A_434 = tpu.memref_slice %arg10[%dma_wait3A_427] : memref<4x!tpu.dma_semaphore, #tpu.memory_space<semaphore_mem>> -> memref<1x!tpu.dma_semaphore, #tpu.memory_space<semaphore_mem>>
    %dma_wait3A_435 = tpu.memref_squeeze %dma_wait3A_434 : memref<1x!tpu.dma_semaphore, #tpu.memory_space<semaphore_mem>> -> memref<!tpu.dma_semaphore, #tpu.memory_space<semaphore_mem>>
    %dma_wait3A_436 = arith.constant 0 : i32
    %dma_wait3A_437 = tpu.memref_slice %arg4[%add3A_211, %dma_wait3A_436] : memref<32768x64xf32, #tpu.memory_space<hbm>> -> memref<128x64xf32, #tpu.memory_space<hbm>>
    %dma_wait3A_438 = arith.constant 0 : i32
    %dma_wait3A_439 = arith.constant 0 : i32
    %dma_wait3A_440 = tpu.memref_slice %arg8[%dma_wait3A_426, %dma_wait3A_438, %dma_wait3A_439] : memref<4x128x64xf32, #tpu.memory_space<vmem>> -> memref<1x128x64xf32, #tpu.memory_space<vmem>>
    %dma_wait3A_441 = tpu.memref_squeeze %dma_wait3A_440 : memref<1x128x64xf32, #tpu.memory_space<vmem>> -> memref<128x64xf32, #tpu.memory_space<vmem>>
    tpu.wait_dma2 semaphore(%dma_wait3A_435 : memref<!tpu.dma_semaphore, #tpu.memory_space<semaphore_mem>>) src(%dma_wait3A_441 : memref<128x64xf32, #tpu.memory_space<vmem>>) dst(%dma_wait3A_437 : memref<128x64xf32, #tpu.memory_space<hbm>>)
    %scan3A_442 = arith.constant 0 : i32
    %scan3A_443 = arith.constant 0 : i32
    %scan3A_444 = arith.constant 128 : i32
    %scan3A_445 = arith.addi %scan3A_443, %scan3A_444 : i32
    %scan3A_446 = arith.constant 1 : i32
    scf.for %scan3A_530 = %scan3A_443 to %scan3A_445 step %scan3A_446  : i32 {
      %get3A = arith.constant 1 : i32
      %get3A_531 = arith.index_cast %get3A : i32 to index
      %get3A_532 = arith.index_cast %scan3A_530 : i32 to index
      %get3A_533 = arith.constant 0 : index
      %get3A_534 = tpu.vector_load %arg7[%get3A_531, %get3A_532, %get3A_533] {strides = array<i32>} : memref<3x128x128xf32, #tpu.memory_space<vmem>>, vector<1x1x16xf32>,
      %get3A_535 = vector.shape_cast %get3A_534 : vector<1x1x16xf32> to vector<16xf32>
      %swap3A = arith.constant 3 : i32
      %swap3A_536 = arith.index_cast %swap3A : i32 to index
      %swap3A_537 = arith.index_cast %scan3A_530 : i32 to index
      %swap3A_538 = arith.constant 0 : index
      %swap3A_539 = tpu.vector_load %arg8[%swap3A_536, %swap3A_537, %swap3A_538] {strides = array<i32>} : memref<4x128x64xf32, #tpu.memory_space<vmem>>, vector<1x1x16xf32>,
      %swap3A_540 = vector.shape_cast %swap3A_539 : vector<1x1x16xf32> to vector<16xf32>
      %swap3A_541 = vector.shape_cast %get3A_535 : vector<16xf32> to vector<1x1x16xf32>
      tpu.vector_store %arg8[%swap3A_536, %swap3A_537, %swap3A_538], %swap3A_541 {strides = array<i32>} : memref<4x128x64xf32, #tpu.memory_space<vmem>>, vector<1x1x16xf32>,
      %get3A_542 = arith.constant 1 : i32
      %get3A_543 = arith.index_cast %get3A_542 : i32 to index
      %get3A_544 = arith.index_cast %scan3A_530 : i32 to index
      %get3A_545 = arith.constant 16 : index
      %get3A_546 = tpu.vector_load %arg7[%get3A_543, %get3A_544, %get3A_545] {strides = array<i32>} : memref<3x128x128xf32, #tpu.memory_space<vmem>>, vector<1x1x16xf32>,
      %get3A_547 = vector.shape_cast %get3A_546 : vector<1x1x16xf32> to vector<16xf32>
      %swap3A_548 = arith.constant 3 : i32
      %swap3A_549 = arith.index_cast %swap3A_548 : i32 to index
      %swap3A_550 = arith.index_cast %scan3A_530 : i32 to index
      %swap3A_551 = arith.constant 16 : index
      %swap3A_552 = tpu.vector_load %arg8[%swap3A_549, %swap3A_550, %swap3A_551] {strides = array<i32>} : memref<4x128x64xf32, #tpu.memory_space<vmem>>, vector<1x1x16xf32>,
      %swap3A_553 = vector.shape_cast %swap3A_552 : vector<1x1x16xf32> to vector<16xf32>
      %swap3A_554 = vector.shape_cast %get3A_547 : vector<16xf32> to vector<1x1x16xf32>
      tpu.vector_store %arg8[%swap3A_549, %swap3A_550, %swap3A_551], %swap3A_554 {strides = array<i32>} : memref<4x128x64xf32, #tpu.memory_space<vmem>>, vector<1x1x16xf32>,
      %get3A_555 = arith.constant 1 : i32
      %get3A_556 = arith.index_cast %get3A_555 : i32 to index
      %get3A_557 = arith.index_cast %scan3A_530 : i32 to index
      %get3A_558 = arith.constant 32 : index
      %get3A_559 = tpu.vector_load %arg7[%get3A_556, %get3A_557, %get3A_558] {strides = array<i32>} : memref<3x128x128xf32, #tpu.memory_space<vmem>>, vector<1x1x16xf32>,
      %get3A_560 = vector.shape_cast %get3A_559 : vector<1x1x16xf32> to vector<16xf32>
      %swap3A_561 = arith.constant 3 : i32
      %swap3A_562 = arith.index_cast %swap3A_561 : i32 to index
      %swap3A_563 = arith.index_cast %scan3A_530 : i32 to index
      %swap3A_564 = arith.constant 32 : index
      %swap3A_565 = tpu.vector_load %arg8[%swap3A_562, %swap3A_563, %swap3A_564] {strides = array<i32>} : memref<4x128x64xf32, #tpu.memory_space<vmem>>, vector<1x1x16xf32>,
      %swap3A_566 = vector.shape_cast %swap3A_565 : vector<1x1x16xf32> to vector<16xf32>
      %swap3A_567 = vector.shape_cast %get3A_560 : vector<16xf32> to vector<1x1x16xf32>
      tpu.vector_store %arg8[%swap3A_562, %swap3A_563, %swap3A_564], %swap3A_567 {strides = array<i32>} : memref<4x128x64xf32, #tpu.memory_space<vmem>>, vector<1x1x16xf32>,
      %get3A_568 = arith.constant 1 : i32
      %get3A_569 = arith.index_cast %get3A_568 : i32 to index
      %get3A_570 = arith.index_cast %scan3A_530 : i32 to index
      %get3A_571 = arith.constant 48 : index
      %get3A_572 = tpu.vector_load %arg7[%get3A_569, %get3A_570, %get3A_571] {strides = array<i32>} : memref<3x128x128xf32, #tpu.memory_space<vmem>>, vector<1x1x16xf32>,
      %get3A_573 = vector.shape_cast %get3A_572 : vector<1x1x16xf32> to vector<16xf32>
      %swap3A_574 = arith.constant 3 : i32
      %swap3A_575 = arith.index_cast %swap3A_574 : i32 to index
      %swap3A_576 = arith.index_cast %scan3A_530 : i32 to index
      %swap3A_577 = arith.constant 48 : index
      %swap3A_578 = tpu.vector_load %arg8[%swap3A_575, %swap3A_576, %swap3A_577] {strides = array<i32>} : memref<4x128x64xf32, #tpu.memory_space<vmem>>, vector<1x1x16xf32>,
      %swap3A_579 = vector.shape_cast %swap3A_578 : vector<1x1x16xf32> to vector<16xf32>
      %swap3A_580 = vector.shape_cast %get3A_573 : vector<16xf32> to vector<1x1x16xf32>
      tpu.vector_store %arg8[%swap3A_575, %swap3A_576, %swap3A_577], %swap3A_580 {strides = array<i32>} : memref<4x128x64xf32, #tpu.memory_space<vmem>>, vector<1x1x16xf32>,
    }
    %scan3A_447 = arith.constant 128 : i32
    %add3A_448 = arith.constant 896 : i32
    %add3A_449 = arith.addi %mul3A_2, %add3A_448 : i32
    %dma_start3A_450 = arith.constant 3 : i32
    %dma_start3A_451 = arith.constant 3 : i32
    %dma_start3A_452 = arith.constant 0 : i32
    %dma_start3A_453 = arith.constant 0 : i32
    %dma_start3A_454 = tpu.memref_slice %arg8[%dma_start3A_450, %dma_start3A_452, %dma_start3A_453] : memref<4x128x64xf32, #tpu.memory_space<vmem>> -> memref<1x128x64xf32, #tpu.memory_space<vmem>>
    %dma_start3A_455 = tpu.memref_squeeze %dma_start3A_454 : memref<1x128x64xf32, #tpu.memory_space<vmem>> -> memref<128x64xf32, #tpu.memory_space<vmem>>
    %dma_start3A_456 = arith.constant 0 : i32
    %dma_start3A_457 = tpu.memref_slice %arg4[%add3A_449, %dma_start3A_456] : memref<32768x64xf32, #tpu.memory_space<hbm>> -> memref<128x64xf32, #tpu.memory_space<hbm>>
    %dma_start3A_458 = tpu.memref_slice %arg10[%dma_start3A_451] : memref<4x!tpu.dma_semaphore, #tpu.memory_space<semaphore_mem>> -> memref<1x!tpu.dma_semaphore, #tpu.memory_space<semaphore_mem>>
    %dma_start3A_459 = tpu.memref_squeeze %dma_start3A_458 : memref<1x!tpu.dma_semaphore, #tpu.memory_space<semaphore_mem>> -> memref<!tpu.dma_semaphore, #tpu.memory_space<semaphore_mem>>
    %dma_start3A_460 = arith.constant 0 : i32
    %dma_start3A_461 = tpu.memref_slice %arg4[%add3A_449, %dma_start3A_460] : memref<32768x64xf32, #tpu.memory_space<hbm>> -> memref<128x64xf32, #tpu.memory_space<hbm>>
    %dma_start3A_462 = arith.constant 0 : i32
    %dma_start3A_463 = arith.constant 0 : i32
    %dma_start3A_464 = tpu.memref_slice %arg8[%dma_start3A_450, %dma_start3A_462, %dma_start3A_463] : memref<4x128x64xf32, #tpu.memory_space<vmem>> -> memref<1x128x64xf32, #tpu.memory_space<vmem>>
    %dma_start3A_465 = tpu.memref_squeeze %dma_start3A_464 : memref<1x128x64xf32, #tpu.memory_space<vmem>> -> memref<128x64xf32, #tpu.memory_space<vmem>>
    tpu.enqueue_dma source(%dma_start3A_465 : memref<128x64xf32, #tpu.memory_space<vmem>>) target(%dma_start3A_461 : memref<128x64xf32, #tpu.memory_space<hbm>>) target_semaphore(%dma_start3A_459 : memref<!tpu.dma_semaphore, #tpu.memory_space<semaphore_mem>>)
    %dma_wait3A_466 = arith.constant 0 : i32
    %dma_wait3A_467 = arith.constant 0 : i32
    %dma_wait3A_468 = arith.constant 0 : i32
    %dma_wait3A_469 = arith.constant 0 : i32
    %dma_wait3A_470 = tpu.memref_slice %arg8[%dma_wait3A_466, %dma_wait3A_468, %dma_wait3A_469] : memref<4x128x64xf32, #tpu.memory_space<vmem>> -> memref<1x128x64xf32, #tpu.memory_space<vmem>>
    %dma_wait3A_471 = tpu.memref_squeeze %dma_wait3A_470 : memref<1x128x64xf32, #tpu.memory_space<vmem>> -> memref<128x64xf32, #tpu.memory_space<vmem>>
    %dma_wait3A_472 = arith.constant 0 : i32
    %dma_wait3A_473 = tpu.memref_slice %arg4[%add3A_277, %dma_wait3A_472] : memref<32768x64xf32, #tpu.memory_space<hbm>> -> memref<128x64xf32, #tpu.memory_space<hbm>>
    %dma_wait3A_474 = tpu.memref_slice %arg10[%dma_wait3A_467] : memref<4x!tpu.dma_semaphore, #tpu.memory_space<semaphore_mem>> -> memref<1x!tpu.dma_semaphore, #tpu.memory_space<semaphore_mem>>
    %dma_wait3A_475 = tpu.memref_squeeze %dma_wait3A_474 : memref<1x!tpu.dma_semaphore, #tpu.memory_space<semaphore_mem>> -> memref<!tpu.dma_semaphore, #tpu.memory_space<semaphore_mem>>
    %dma_wait3A_476 = arith.constant 0 : i32
    %dma_wait3A_477 = tpu.memref_slice %arg4[%add3A_277, %dma_wait3A_476] : memref<32768x64xf32, #tpu.memory_space<hbm>> -> memref<128x64xf32, #tpu.memory_space<hbm>>
    %dma_wait3A_478 = arith.constant 0 : i32
    %dma_wait3A_479 = arith.constant 0 : i32
    %dma_wait3A_480 = tpu.memref_slice %arg8[%dma_wait3A_466, %dma_wait3A_478, %dma_wait3A_479] : memref<4x128x64xf32, #tpu.memory_space<vmem>> -> memref<1x128x64xf32, #tpu.memory_space<vmem>>
    %dma_wait3A_481 = tpu.memref_squeeze %dma_wait3A_480 : memref<1x128x64xf32, #tpu.memory_space<vmem>> -> memref<128x64xf32, #tpu.memory_space<vmem>>
    tpu.wait_dma2 semaphore(%dma_wait3A_475 : memref<!tpu.dma_semaphore, #tpu.memory_space<semaphore_mem>>) src(%dma_wait3A_481 : memref<128x64xf32, #tpu.memory_space<vmem>>) dst(%dma_wait3A_477 : memref<128x64xf32, #tpu.memory_space<hbm>>)
    %dma_wait3A_482 = arith.constant 1 : i32
    %dma_wait3A_483 = arith.constant 1 : i32
    %dma_wait3A_484 = arith.constant 0 : i32
    %dma_wait3A_485 = arith.constant 0 : i32
    %dma_wait3A_486 = tpu.memref_slice %arg8[%dma_wait3A_482, %dma_wait3A_484, %dma_wait3A_485] : memref<4x128x64xf32, #tpu.memory_space<vmem>> -> memref<1x128x64xf32, #tpu.memory_space<vmem>>
    %dma_wait3A_487 = tpu.memref_squeeze %dma_wait3A_486 : memref<1x128x64xf32, #tpu.memory_space<vmem>> -> memref<128x64xf32, #tpu.memory_space<vmem>>
    %dma_wait3A_488 = arith.constant 0 : i32
    %dma_wait3A_489 = tpu.memref_slice %arg4[%add3A_343, %dma_wait3A_488] : memref<32768x64xf32, #tpu.memory_space<hbm>> -> memref<128x64xf32, #tpu.memory_space<hbm>>
    %dma_wait3A_490 = tpu.memref_slice %arg10[%dma_wait3A_483] : memref<4x!tpu.dma_semaphore, #tpu.memory_space<semaphore_mem>> -> memref<1x!tpu.dma_semaphore, #tpu.memory_space<semaphore_mem>>
    %dma_wait3A_491 = tpu.memref_squeeze %dma_wait3A_490 : memref<1x!tpu.dma_semaphore, #tpu.memory_space<semaphore_mem>> -> memref<!tpu.dma_semaphore, #tpu.memory_space<semaphore_mem>>
    %dma_wait3A_492 = arith.constant 0 : i32
    %dma_wait3A_493 = tpu.memref_slice %arg4[%add3A_343, %dma_wait3A_492] : memref<32768x64xf32, #tpu.memory_space<hbm>> -> memref<128x64xf32, #tpu.memory_space<hbm>>
    %dma_wait3A_494 = arith.constant 0 : i32
    %dma_wait3A_495 = arith.constant 0 : i32
    %dma_wait3A_496 = tpu.memref_slice %arg8[%dma_wait3A_482, %dma_wait3A_494, %dma_wait3A_495] : memref<4x128x64xf32, #tpu.memory_space<vmem>> -> memref<1x128x64xf32, #tpu.memory_space<vmem>>
    %dma_wait3A_497 = tpu.memref_squeeze %dma_wait3A_496 : memref<1x128x64xf32, #tpu.memory_space<vmem>> -> memref<128x64xf32, #tpu.memory_space<vmem>>
    tpu.wait_dma2 semaphore(%dma_wait3A_491 : memref<!tpu.dma_semaphore, #tpu.memory_space<semaphore_mem>>) src(%dma_wait3A_497 : memref<128x64xf32, #tpu.memory_space<vmem>>) dst(%dma_wait3A_493 : memref<128x64xf32, #tpu.memory_space<hbm>>)
    %dma_wait3A_498 = arith.constant 2 : i32
    %dma_wait3A_499 = arith.constant 2 : i32
    %dma_wait3A_500 = arith.constant 0 : i32
    %dma_wait3A_501 = arith.constant 0 : i32
    %dma_wait3A_502 = tpu.memref_slice %arg8[%dma_wait3A_498, %dma_wait3A_500, %dma_wait3A_501] : memref<4x128x64xf32, #tpu.memory_space<vmem>> -> memref<1x128x64xf32, #tpu.memory_space<vmem>>
    %dma_wait3A_503 = tpu.memref_squeeze %dma_wait3A_502 : memref<1x128x64xf32, #tpu.memory_space<vmem>> -> memref<128x64xf32, #tpu.memory_space<vmem>>
    %dma_wait3A_504 = arith.constant 0 : i32
    %dma_wait3A_505 = tpu.memref_slice %arg4[%add3A_396, %dma_wait3A_504] : memref<32768x64xf32, #tpu.memory_space<hbm>> -> memref<128x64xf32, #tpu.memory_space<hbm>>
    %dma_wait3A_506 = tpu.memref_slice %arg10[%dma_wait3A_499] : memref<4x!tpu.dma_semaphore, #tpu.memory_space<semaphore_mem>> -> memref<1x!tpu.dma_semaphore, #tpu.memory_space<semaphore_mem>>
    %dma_wait3A_507 = tpu.memref_squeeze %dma_wait3A_506 : memref<1x!tpu.dma_semaphore, #tpu.memory_space<semaphore_mem>> -> memref<!tpu.dma_semaphore, #tpu.memory_space<semaphore_mem>>
    %dma_wait3A_508 = arith.constant 0 : i32
    %dma_wait3A_509 = tpu.memref_slice %arg4[%add3A_396, %dma_wait3A_508] : memref<32768x64xf32, #tpu.memory_space<hbm>> -> memref<128x64xf32, #tpu.memory_space<hbm>>
    %dma_wait3A_510 = arith.constant 0 : i32
    %dma_wait3A_511 = arith.constant 0 : i32
    %dma_wait3A_512 = tpu.memref_slice %arg8[%dma_wait3A_498, %dma_wait3A_510, %dma_wait3A_511] : memref<4x128x64xf32, #tpu.memory_space<vmem>> -> memref<1x128x64xf32, #tpu.memory_space<vmem>>
    %dma_wait3A_513 = tpu.memref_squeeze %dma_wait3A_512 : memref<1x128x64xf32, #tpu.memory_space<vmem>> -> memref<128x64xf32, #tpu.memory_space<vmem>>
    tpu.wait_dma2 semaphore(%dma_wait3A_507 : memref<!tpu.dma_semaphore, #tpu.memory_space<semaphore_mem>>) src(%dma_wait3A_513 : memref<128x64xf32, #tpu.memory_space<vmem>>) dst(%dma_wait3A_509 : memref<128x64xf32, #tpu.memory_space<hbm>>)
    %dma_wait3A_514 = arith.constant 3 : i32
    %dma_wait3A_515 = arith.constant 3 : i32
    %dma_wait3A_516 = arith.constant 0 : i32
    %dma_wait3A_517 = arith.constant 0 : i32
    %dma_wait3A_518 = tpu.memref_slice %arg8[%dma_wait3A_514, %dma_wait3A_516, %dma_wait3A_517] : memref<4x128x64xf32, #tpu.memory_space<vmem>> -> memref<1x128x64xf32, #tpu.memory_space<vmem>>
    %dma_wait3A_519 = tpu.memref_squeeze %dma_wait3A_518 : memref<1x128x64xf32, #tpu.memory_space<vmem>> -> memref<128x64xf32, #tpu.memory_space<vmem>>
    %dma_wait3A_520 = arith.constant 0 : i32
    %dma_wait3A_521 = tpu.memref_slice %arg4[%add3A_449, %dma_wait3A_520] : memref<32768x64xf32, #tpu.memory_space<hbm>> -> memref<128x64xf32, #tpu.memory_space<hbm>>
    %dma_wait3A_522 = tpu.memref_slice %arg10[%dma_wait3A_515] : memref<4x!tpu.dma_semaphore, #tpu.memory_space<semaphore_mem>> -> memref<1x!tpu.dma_semaphore, #tpu.memory_space<semaphore_mem>>
    %dma_wait3A_523 = tpu.memref_squeeze %dma_wait3A_522 : memref<1x!tpu.dma_semaphore, #tpu.memory_space<semaphore_mem>> -> memref<!tpu.dma_semaphore, #tpu.memory_space<semaphore_mem>>
    %dma_wait3A_524 = arith.constant 0 : i32
    %dma_wait3A_525 = tpu.memref_slice %arg4[%add3A_449, %dma_wait3A_524] : memref<32768x64xf32, #tpu.memory_space<hbm>> -> memref<128x64xf32, #tpu.memory_space<hbm>>
    %dma_wait3A_526 = arith.constant 0 : i32
    %dma_wait3A_527 = arith.constant 0 : i32
    %dma_wait3A_528 = tpu.memref_slice %arg8[%dma_wait3A_514, %dma_wait3A_526, %dma_wait3A_527] : memref<4x128x64xf32, #tpu.memory_space<vmem>> -> memref<1x128x64xf32, #tpu.memory_space<vmem>>
    %dma_wait3A_529 = tpu.memref_squeeze %dma_wait3A_528 : memref<1x128x64xf32, #tpu.memory_space<vmem>> -> memref<128x64xf32, #tpu.memory_space<vmem>>
    tpu.wait_dma2 semaphore(%dma_wait3A_523 : memref<!tpu.dma_semaphore, #tpu.memory_space<semaphore_mem>>) src(%dma_wait3A_529 : memref<128x64xf32, #tpu.memory_space<vmem>>) dst(%dma_wait3A_525 : memref<128x64xf32, #tpu.memory_space<hbm>>)
    return
  }
}

module attributes {stable_mosaic.version = 14 : i64} {
  func.func @_table_body(%arg0: memref<119x64xf32, #tpu.memory_space<vmem>>, %arg1: memref<64x64xf32, #tpu.memory_space<vmem>>, %arg2: memref<128x128xf32, #tpu.memory_space<vmem>>) attributes {dimension_semantics = [], scalar_prefetch = 0 : i64, scratch_operands = 0 : i64, tpu.core_type = #tpu.core_type<tc>} {
    %get3A = arith.constant 0 : index
    %get3A_0 = arith.constant 0 : index
    %get3A_1 = vector.load %arg0[%get3A, %get3A_0] : memref<119x64xf32, #tpu.memory_space<vmem>>, vector<119x64xf32>
    %jit3A = arith.constant 0 : i32
    %convert_element_type3A = arith.sitofp %jit3A : i32 to f32
    %pad3A = vector.broadcast %convert_element_type3A : f32 to vector<9x64xf32>
    %pad3A_2 = tpu.concatenate %get3A_1, %pad3A in 0 : vector<119x64xf32>, vector<9x64xf32> -> vector<128x64xf32>
    %neg3A = arith.constant 0.000000e+00 : f32
    %neg3A_3 = vector.broadcast %neg3A : f32 to vector<128x64xf32>
    %neg3A_4 = arith.subf %neg3A_3, %pad3A_2 : vector<128x64xf32>
    %exp3A = math.exp %neg3A_4 : vector<128x64xf32>
    %add3A = arith.constant 1.000000e+00 : f32
    %add3A_5 = vector.broadcast %add3A : f32 to vector<128x64xf32>
    %add3A_6 = arith.addf %add3A_5, %exp3A : vector<128x64xf32>
    %div3A = arith.constant 1.000000e+00 : f32
    %div3A_7 = vector.broadcast %div3A : f32 to vector<128x64xf32>
    %div3A_8 = arith.divf %div3A_7, %add3A_6 : vector<128x64xf32>
    %mul3A = arith.mulf %pad3A_2, %div3A_8 : vector<128x64xf32>
    %get3A_9 = arith.constant 0 : index
    %get3A_10 = arith.constant 0 : index
    %get3A_11 = vector.load %arg1[%get3A_9, %get3A_10] : memref<64x64xf32, #tpu.memory_space<vmem>>, vector<64x64xf32>
    %dot_general3A = arith.constant dense<0.000000e+00> : vector<128x64xf32>
    %dot_general3A_12 = tpu.matmul %mul3A, %get3A_11, %dot_general3A {dimension_numbers = #tpu.dot_dimension_numbers<[1], [1], [0], [0], [0, 0, 1, 0], [], []>, transpose_lhs_hint = false} : vector<128x64xf32>, vector<64x64xf32>, vector<128x64xf32> -> vector<128x64xf32>
    %jit3A_13 = arith.constant 0xFF800000 : f32
    %pad3A_14 = vector.broadcast %jit3A_13 : f32 to vector<128x64xf32>
    %pad3A_15 = tpu.concatenate %dot_general3A_12, %pad3A_14 in 1 : vector<128x64xf32>, vector<128x64xf32> -> vector<128x128xf32>
    %reduce_max3A = arith.constant dense<0xFF800000> : vector<128xf32>
    %reduce_max3A_16 = vector.multi_reduction <maximumf>, %pad3A_15, %reduce_max3A [1] : vector<128x128xf32> to vector<128xf32>
    %broadcast_in_dim3A = vector.shape_cast %reduce_max3A_16 : vector<128xf32> to vector<128x1xf32>
    %sub3A = vector.broadcast %broadcast_in_dim3A : vector<128x1xf32> to vector<128x128xf32>
    %sub3A_17 = arith.subf %pad3A_15, %sub3A : vector<128x128xf32>
    %exp3A_18 = math.exp %sub3A_17 : vector<128x128xf32>
    %reduce_sum3A = arith.constant dense<0.000000e+00> : vector<128xf32>
    %reduce_sum3A_19 = vector.multi_reduction <add>, %exp3A_18, %reduce_sum3A [1] : vector<128x128xf32> to vector<128xf32>
    %broadcast_in_dim3A_20 = vector.shape_cast %reduce_sum3A_19 : vector<128xf32> to vector<128x1xf32>
    %div3A_21 = vector.broadcast %broadcast_in_dim3A_20 : vector<128x1xf32> to vector<128x128xf32>
    %div3A_22 = arith.divf %exp3A_18, %div3A_21 : vector<128x128xf32>
    %swap3A = arith.constant 0 : index
    %swap3A_23 = arith.constant 0 : index
    %swap3A_24 = vector.load %arg2[%swap3A, %swap3A_23] : memref<128x128xf32, #tpu.memory_space<vmem>>, vector<128x128xf32>
    tpu.vector_store %arg2[%swap3A, %swap3A_23], %div3A_22 {strides = array<i32>} : memref<128x128xf32, #tpu.memory_space<vmem>>, vector<128x128xf32>,
    return
  }
}

</mosaic_0001>

<sc_bundles>
// kernel: kernel.4.cloned.1.call-start
scs
__scs_entry_jumppad:
0x0: {  	(pc) =	sbr.rel $0x88, $3  }
0x1: {  	(tag) =	ssettag $0x0;
	lr =	simm.s32 $0x1  }
0x2: {  	[smem:$0x3F9E] =	sst lr;
	_ =	strace $0xD0000000  }
0x3: {  	_ = 	snop  }
0x4: {  	_ = 	snop  }
0x5: {  	_ = 	snop  }
0x6: {  	_ = 	snop  }
0x7: {  	_ = 	snop  }
__scs_overlays_trampoline_lowered:
0x8: {  	[smem:$0x3FAD] =	sst s0  }
0x9: {  	[smem:$0x3FAE] =	sst s1  }
0xa: {  	[smem:$0x3FAF] =	sst s2  }
0xb: {  	[smem:$0x3FB0] =	sst s3  }
0xc: {  	[smem:$0x3FB1] =	sst s4  }
0xd: {  	[smem:$0x3FB2] =	sst s5  }
0xe: {  	[smem:$0x3FB3] =	sst s6  }
0xf: {  	[smem:$0x3FB4] =	sst s7  }
0x10: {  	[smem:$0x3FB5] =	sst s8  }
0x11: {  	[smem:$0x3FB6] =	sst s9;
	s0 =	simm.s32 @!p0 $0x0  }
0x12: {  	s1 =	sld [smem:$0x3F9C];
	s0 =	simm.s32 @p0 $0x1  }
0x13: {  	[smem:$0x3FB7] =	sst s0;
	s0 =	simm.s32 @!p1 $0x0  }
0x14: {  	s2 =	sld [smem:$0x3F9B];
	s0 =	simm.s32 @p1 $0x1  }
0x15: {  	[smem:$0x3FB8] =	sst s0;
	s0 =	simm.s32 @!p2 $0x0  }
0x16: {  	s3 =	sld [smem:$0x3FDB];
	s0 =	simm.s32 @p2 $0x1  }
0x17: {  	s4 =	simm.s32 $0x1BF5;
	[smem:$0x3FBA] =	sst s0  }
0x18: {  	s0 =	sld [smem:$0x3F9D];
	_ =	swait.ge [sflag:s4], $0x0  }
0x19: {  	s7 =	sld [smem:$0x3F9E]  }
0x1a: {  	s8 =	sadd.s32 $0xFFFFE003, lr  }
0x1b: {  	s9 =	sadd.s32 $0xFFFFFEF7, lr;
	s5 =	simm.s32 $0xFFFFFFFF;
	p2 =	slt.u32 s8, $0xFFFFF086  }
0x1c: {  	p1 =	slt.u32 s9, $0xF7A;
	s5 =	simm.s32 @!p2 $0x0  }
0x1d: {  	s5 =	simm.s32 @p1 $0x1;
	p0 =	seq.s32 s7, s2  }
0x1e: {  	s7 =	smul.u32 @!p0 $0xF7A, s2;
	p2 =	seq.s32 @!p0 s5, $0x0  }
0x1f: {  	s9 =	smul.u32 $0xF7A, s1;
	s8 =	simm.s32 @!p0 $0x1BF5;
	p2 =	por !p2, p0  }
0x20: {  	[sflag:s8] =	ssyncset.s32 @!p0 $0xFFFFF086;
	s6 =	sadd.s32 @!p0 s3, s7;
	s7 =	simm.s32 @!p0 $0x108  }
0x21: {  	s3 =	sadd.s32 s3, s9;
	s6 =	sadd.s32 @!p0 $0x88, s6;
	s7 =	simm.s32 @p2 $0x1082  }
0x22: {  	[simem:s7], [sflag:s8] =	dma.local @!p0 [hbm:s6], $0xF7A  }
0x23: {  	s9 =	sor.u32 $0xD0000000, s2;
	s6 =	simm.s32 $0x108;
	_ =	swait.ge @!p0 [sflag:s8], $0x0  }
0x24: {  	s3 =	sadd.s32 $0x88, s3;
	s6 =	simm.s32 @!p1 $0x1082;
	[sflag:s4] =	ssyncset.s32 $0xFFFFF086  }
0x25: {  	[simem:s6], [sflag:s4] =	dma.local [hbm:s3], $0xF7A  }
0x26: {  	[smem:$0x3F9E] =	sst s1;
	(tag) =	ssettag s2;
	_ =	strace s9  }
0x27: {  	s1 =	sld [smem:$0x3FAE]  }
0x28: {  	s2 =	sld [smem:$0x3FAF]  }
0x29: {  	s4 =	sld [smem:$0x3FB1]  }
0x2a: {  	p0 =	seq.s32 s5, $0x0;
	s5 =	sld [smem:$0x3FB2]  }
0x2b: {  	s6 =	sld [smem:$0x3FB3]  }
0x2c: {  	s7 =	sld [smem:$0x3FB4]  }
0x2d: {  	s3 =	simm.s32 $0x108;
	s8 =	sld [smem:$0x3FB5]  }
0x2e: {  	s3 =	simm.s32 @!p0 $0x1082;
	s9 =	sld [smem:$0x3FB6]  }
0x2f: {  	lr =	sadd.s32 s0, s3;
	s0 =	sld [smem:$0x3FAD]  }
0x30: {  	s3 =	sld [smem:$0x3FB0]  }
0x31: {  	[smem:$0x3FB9] =	sst s10  }
0x32: {  	s10 =	sld [smem:$0x3FB7];
	_ =	sdelay $0x3  }
0x33: {  	p0 =	seq.s32 s10, $0x1;
	s10 =	sld [smem:$0x3FB9];
	_ =	sdelay $0x3  }
0x34: {  	[smem:$0x3FB9] =	sst s10  }
0x35: {  	s10 =	sld [smem:$0x3FB8];
	_ =	sdelay $0x3  }
0x36: {  	p1 =	seq.s32 s10, $0x1;
	s10 =	sld [smem:$0x3FB9];
	_ =	sdelay $0x3  }
0x37: {  	[smem:$0x3FB9] =	sst s10  }
0x38: {  	s10 =	sld [smem:$0x3FBA]  }
0x39: {  	_ = 	snop;
	(pc) =	sbr.ind lr, $3  }
0x3a: {  	_ = 	snop  }
0x3b: {  	_ = 	snop  }
0x3c: {  	p2 =	seq.s32 s10, $0x1;
	s10 =	sld [smem:$0x3FB9]  }
0x3d: {  	_ =	shalt  }
0x3e: {  	_ =	shalt  }
0x3f: {  	_ =	shalt  }
0x40: {  	_ =	shalt  }
0x41: {  	_ =	shalt  }
0x42: {  	_ =	shalt  }
0x43: {  	_ =	shalt  }
0x44: {  	_ =	shalt  }
0x45: {  	_ =	shalt  }
0x46: {  	_ =	shalt  }
0x47: {  	_ =	shalt  }
0x48: {  	_ =	shalt  }
0x49: {  	_ =	shalt  }
0x4a: {  	_ =	shalt  }
0x4b: {  	_ =	shalt  }
0x4c: {  	_ =	shalt  }
0x4d: {  	_ =	shalt  }
0x4e: {  	_ =	shalt  }
0x4f: {  	_ =	shalt  }
0x50: {  	_ =	shalt  }
0x51: {  	_ =	shalt  }
0x52: {  	_ =	shalt  }
0x53: {  	_ =	shalt  }
0x54: {  	_ =	shalt  }
0x55: {  	_ =	shalt  }
0x56: {  	_ =	shalt  }
0x57: {  	_ =	shalt  }
0x58: {  	_ =	shalt  }
0x59: {  	_ =	shalt  }
0x5a: {  	_ =	shalt  }
0x5b: {  	_ =	shalt  }
0x5c: {  	_ =	shalt  }
0x5d: {  	_ =	shalt  }
0x5e: {  	_ =	shalt  }
0x5f: {  	_ =	shalt  }
0x60: {  	_ =	shalt  }
0x61: {  	_ =	shalt  }
0x62: {  	_ =	shalt  }
0x63: {  	_ =	shalt  }
0x64: {  	_ =	shalt  }
0x65: {  	_ =	shalt  }
0x66: {  	_ =	shalt  }
0x67: {  	_ =	shalt  }
0x68: {  	_ =	shalt  }
0x69: {  	_ =	shalt  }
0x6a: {  	_ =	shalt  }
0x6b: {  	_ =	shalt  }
0x6c: {  	_ =	shalt  }
0x6d: {  	_ =	shalt  }
0x6e: {  	_ =	shalt  }
0x6f: {  	_ =	shalt  }
0x70: {  	_ =	shalt  }
0x71: {  	_ =	shalt  }
0x72: {  	_ =	shalt  }
0x73: {  	_ =	shalt  }
0x74: {  	_ =	shalt  }
0x75: {  	_ =	shalt  }
0x76: {  	_ =	shalt  }
0x77: {  	_ =	shalt  }
0x78: {  	_ =	shalt  }
0x79: {  	_ =	shalt  }
0x7a: {  	_ =	shalt  }
0x7b: {  	_ =	shalt  }
0x7c: {  	_ =	shalt  }
0x7d: {  	_ =	shalt  }
0x7e: {  	_ =	shalt  }
0x7f: {  	_ =	shalt  }
0x80: {  	_ =	shalt  }
0x81: {  	_ =	shalt  }
0x82: {  	_ =	shalt  }
0x83: {  	_ =	shalt  }
0x84: {  	_ =	shalt  }
0x85: {  	_ =	shalt  }
0x86: {  	_ =	shalt  }
0x87: {  	_ =	shalt  }
.Lfunc_end0:
.L_simem_size_0:
called_computation_lowered:
.L_overlay_start_0:
0x88: {  	s2 =	sld [smem:$0x3FD9]  }
0x89: {  	s3 =	sld [smem:$0x3FFE];
	_ =	sdelay $0x1  }
0x8a: {  	s1 =	srdreg.scid  }
0x8b: {  	s0 =	sand.u32 $0x1, s1  }
0x8c: {  	s17 =	sshll.u32 s0, $0xA;
	s2 =	sadd.s32 s3, s2  }
0x8d: {  	s2 =	sadd.s32 s2, s17  }
0x8e: {  	[smem:$0x3FC5] =	sst s2  }
0x8f: {  	_ = 	snop  }
0x90: {  	s2 =	sld [smem:$0x3FC9]  }
0x91: {  	s18 =	sld [smem:$0x3FD0];
	(tm) =	ssettm $0x1  }
0x92: {  	s4 =	sld [smem:$0x3FFB];
	_ =	sdelay $0x3  }
0x93: {  	_ =	strace s4  }
0x94: {  	s4 =	sld [smem:$0x3FFC];
	_ =	sdelay $0x3  }
0x95: {  	_ =	strace s4  }
0x96: {  	s4 =	sld [smem:$0x3FFD];
	_ =	sdelay $0x3  }
0x97: {  	_ =	strace s4  }
0x98: {  	_ =	strace $0x8FFFFFFF  }
0x99: {  	s19 =	sld [smem:$0x3FDB];
	_ =	sdelay $0x1  }
0x9a: {  	s5 =	simm.s32 $_scs_section_size  }
0x9b: {  	s6 =	simm.s32 $_size__tile_overlayer_lowered;
	s7 =	simm.s32 $_tile_overlayer_lowered  }
0x9c: {  	s22 =	simm.s32 $0x1BFF;
	s21 =	sshll.u32 s7, $0x1;
	s4 =	sadd.s32 s5, s19  }
0x9d: {  	s8 =	simm.s32 $0x0;
	s20 =	sshll.u32 s6, $0x1;
	s6 =	sadd.s32 s21, s4  }
0x9e: {  	[timem:s8], [sflag:s22] =	dma.local [hbm:s6], s20  }
0x9f: {  	_ =	swait.ge [sflag:s22], s20  }
0xa0: {  	s5 =	ssub.s32 $0x0, s20;
	[sflag:s22] =	ssyncset.done $0x0  }
0xa1: {  	[sflag:s22] =	ssyncadd.s32 s5;
	_ =	sdelay $0x1  }
0xa2: {  	s23 =	simm.s32 $0x1B8B  }
0xa3: {  	_ =	swait.ge [sflag:s23], $0x1  }
0xa4: {  	[sflag:s23] =	ssyncset.done $0x0  }
0xa5: {  	s25 =	simm.s32 $0x1B8E;
	s24 =	sld [smem:$0x3FFE];
	[sflag:s23] =	ssyncadd.s32 $0xFFFFFFFF  }
0xa6: {  	s26 =	simm.s32 $execute0_lowered;
	[smem:$0x3FD2] =	sst s25  }
0xa7: {  	s6 =	sshll.u32 s26, $0x1;
	_ =	strace $0x80000046;
	[dreg:$0x1] =	wrdreg $0xFFFFFFFF  }
0xa8: {  	s28 =	simm.s32 $_size_execute0_lowered;
	s4 =	sadd.s32 s4, s6;
	[dreg:$0x0] =	wrdreg $0x0  }
0xa9: {  	s6 =	sshll.u32 s28, $0x1;
	[dreg:$0x2] =	wrdreg s4  }
0xaa: {  	[dreg:$0x3] =	wrdreg s6  }
0xab: {  	[dreg:$0x4] =	wrdreg $0xC0  }
0xac: {  	_ =	task [dreg:s8], $0x5FFFF  }
0xad: {  	[dreg:$0x1] =	wrdreg $0xFFFFFFFF  }
0xae: {  	[dreg:$0x0] =	wrdreg $0x60  }
0xaf: {  	[dreg:$0x2] =	wrdreg s18  }
0xb0: {  	[dreg:$0x3] =	wrdreg s2  }
0xb1: {  	[dreg:$0x4] =	wrdreg s24  }
0xb2: {  	[dreg:$0x5] =	wrdreg $0x0  }
0xb3: {  	[dreg:$0x6] =	wrdreg $0x9  }
0xb4: {  	_ =	task.clear_ibuf [dreg:s8], $0x7FFFF;
	_ =	strace $0x90000046  }
0xb5: {  	s29 =	simm.s32 $0x9;
	_ =	strace $0x80000048  }
0xb6: {  	_ =	swait.ge [sflag:s29], $0x1  }
0xb7: {  	[sflag:s29] =	ssyncadd.s32 $0xFFFFFFFF  }
0xb8: {  	_ =	strace $0x90000048  }
0xb9: {  	_ =	sfence  }
0xba: {  	s30 =	sld [smem:$0x0];
	_ =	sdelay $0x2  }
0xbb: {  	s31 =	sshll.u32 s1, $0xD;
	s1 =	sshrl.u32 s1, $0x2  }
0xbc: {  	s3 =	sand.u32 $0x4000, s31;
	s1 =	sadd.s32 s1, s30  }
0xbd: {  	s0 =	sor.u32 s3, s0;
	s1 =	sshll.u32 s1, $0x11  }
0xbe: {  	s0 =	sor.u32 s1, s0  }
0xbf: {  	s0 =	sadd.s32 $0x8F2B, s0  }
0xc0: {  	[sflag:s0] =	ssyncadd.remote.s32 $0x1  }
0xc1: {  	_ =	sfence.sel $0xFFFF  }
0xc2: {  	[dreg:$0x0] =	wrdreg $0xFFFFFFFF;
	(pc) =	sbr.abs _section_cstart, $3  }
0xc3: {  	[dreg:$0x1] =	wrdreg $0xFFFFFFFF  }
0xc4: {  	_ =	task.clear_ibuf [dreg:s8], $0x2FFFF;
	_ =	strace $0x9FFFFFFF  }
0xc5: {  	(tm) =	ssettm $0x7FFFFFFF  }
tec
execute0_lowered:
.L_overlay_start_1:
0x0: {  	(tag) =	ssettag $0x1  }
0x1: {  	s0 =	rddreg [dreg:$0x1]  }
0x2: {  	s1 =	rddreg [dreg:$0x2]  }
0x3: {  	s2 =	rddreg [dreg:$0x3]  }
0x4: {  	s3 =	srdreg.scid;
	s5 =	simm.s32 $0x0;
	s4 =	stileid.u32  }
0x5: {  	s15 =	simm.s32 $0x400;
	s16 =	simm.s32 $0x8;
	s17 =	simm.s32 $0x80  }
0x6: {  	s18 =	simm.s32 $0x800;
	s20 =	simm.s32 $0x4800;
	s22 =	simm.s32 $0x8800  }
0x7: {  	s23 =	simm.s32 $0x1;
	s24 =	simm.s32 $0xC800;
	s28 =	simm.s32 $0x10800  }
0x8: {  	s30 =	simm.s32 $0x3;
	s31 =	simm.s32 $0x14800;
	s21 =	simm.s32 $0x4  }
0x9: {  	s29 =	simm.s32 $0x5;
	s19 =	simm.s32 $0x7;
	s3 =	sand.u32 $0x1, s3  }
0xa: {  	[smem:$0x7FF] =	sst s5;
	s25 =	sshll.u32 s4, $0xB;
	p0 =	sne.s32 s4, $0x0  }
0xb: {  	s6 =	sshll.u32 s3, $0xA;
	_ =	strace $0x80000047;
	s3 =	ssub.s32 $0x2, s3  }
0xc: {  	s14 =	sshrl.u32 @!p0 s2, $0x3;
	s5 =	sor.u32 s6, s25;
	s7 =	sshrl.u32 s3, $0x1  }
0xd: {  	s25 =	simm.s32 $0x0;
	s6 =	sshll.u32 s5, $0x4;
	s5 =	sshrl.u32 s5, $0x3  }
0xe: {  	s3 =	ssub.s32 s3, s7;
	s1 =	sadd.s32 s6, s1;
	s0 =	sadd.s32 s0, s5  }
0xf: {  	s5 =	simm.s32 $0x0;
	s13 =	smax.u32 s3, $0x1;
	[dreg:$0x5] =	wrdreg s0  }
0x10: {  	s26 =	sadd.s32 $0x800, s1;
	s6 =	sadd.s32 $0x1000, s1;
	s7 =	sadd.s32 $0x1800, s1  }
0x11: {  	s8 =	sadd.s32 $0x2000, s1;
	s9 =	sadd.s32 $0x2800, s1;
	s10 =	sadd.s32 $0x3000, s1  }
0x12: {  	s11 =	sadd.s32 $0x3800, s1;
	s12 =	sadd.s32 $0x4000, s1;
	s1 =	simm.s32 $0x18800  }
0x13: {  	s0 =	simm.s32 $0x6;
	[dreg:$0x6] =	wrdreg s26;
	s26 =	simm.s32 $0x2  }
.LBB2_1:
0x14: {  	s3 =	simm.s32 @!p0 $0x1C08;
	s4 =	rddreg [dreg:$0x0]  }
0x15: {  	[spmem:s14], [sflag:s3] =	dma.local @!p0 [hbm:s4], $0x800  }
0x16: {  	s3 =	simm.s32 @!p0 $0x8  }
0x17: {  	_ =	swait.ge @!p0 [sflag:s3], $0x800  }
0x18: {  	[sflag:s3] =	ssyncset.done @!p0 $0x0  }
0x19: {  	s4 =	rddreg [dreg:$0x5];
	[sflag:s3] =	ssyncadd.s32 @!p0 $0xFFFFF800  }
0x1a: {  	[tilespmem:s15], [sflag:$0x8] =	stream.linear.gather [hbm4b:s4+s5], $0x400, $0x38;
	[tilespmem:$0x1C800] =	vst v63  }
0x1b: {  	_ =	swait.ge [sflag:s16], $0x400  }
0x1c: {  	[sflag:s16] =	ssyncset.done $0x0  }
0x1d: {  	[sflag:s16] =	ssyncadd.s32 $0xFFFFFC00  }
0x1e: {  	[bflag:$0x0] =	sbarrier.arrive $0xFFFF  }
0x1f: {  	[tilespmem:s18], [sflag:$0x1] =	stream.indirect.gather [spmem:s2], $0x80, s15, s17, $0xb8;
	[tilespmem:$0x1C800] =	vst v63  }
0x20: {  	s4 =	simm.s32 $0x480  }
0x21: {  	[tilespmem:s20], [sflag:$0x2] =	stream.indirect.gather [spmem:s2], $0x80, s4, s17, $0xb8;
	[tilespmem:$0x1C800] =	vst v63  }
0x22: {  	s5 =	simm.s32 $0x500  }
0x23: {  	[tilespmem:s22], [sflag:$0x3] =	stream.indirect.gather [spmem:s2], $0x80, s5, s17, $0xb8;
	[tilespmem:$0x1C800] =	vst v63  }
0x24: {  	_ =	swait.ge [sflag:s23], $0x4000  }
0x25: {  	[sflag:s23] =	ssyncset.done $0x0  }
0x26: {  	s3 =	simm.s32 $0x0;
	[sflag:s23] =	ssyncadd.s32 $0xFFFFC000  }
0x27: {  	v0 =	vld [tilespmem:s3+$0x830]  }
0x28: {  	v1 =	vld [tilespmem:s3+$0x800]  }
0x29: {  	v2 =	vld [tilespmem:s3+$0x810]  }
0x2a: {  	s4 =	simm.s32 $0x200;
	v3 =	vld [tilespmem:s3+$0x820]  }
.LBB2_2:
0x2b: {  	p1 =	sne.s32 s4, $0xFE00  }
.Ltmp0:
0x2c: {  	s5 =	sshra.s32 s4, $0x2;
	s4 =	sadd.s32 $0x200, s4;
	[tilespmem:s3+$0xC830] =	vst v0;
	(pc) =	sbr.rel @p1 .LBB2_2-.Ltmp0, $4  }
0x2d: {  	v0 =	vld [tilespmem:s5+$0x830];
	[tilespmem:s3+$0xC800] =	vst v1  }
0x2e: {  	v1 =	vld [tilespmem:s5+$0x800];
	[tilespmem:s3+$0xC810] =	vst v2  }
0x2f: {  	v2 =	vld [tilespmem:s5+$0x810];
	[tilespmem:s3+$0xC820] =	vst v3;
	s3 =	smov.u32 s5  }
0x30: {  	v3 =	vld [tilespmem:s3+$0x820]  }
0x31: {  	_ = 	snop  }
0x32: {  	[tilespmem:s3+$0xC830] =	vst v0  }
0x33: {  	[tilespmem:s3+$0xC800] =	vst v1  }
0x34: {  	[tilespmem:s3+$0xC810] =	vst v2  }
0x35: {  	s5 =	simm.s32 $0x0;
	s4 =	rddreg [dreg:$0x6];
	[tilespmem:s3+$0xC820] =	vst v3  }
0x36: {  	[hbm4b:s4+s5] =	stream.linear.scatter [tilespmem:s24], [sflag:$0x4], $0x4000, $0x38;
	[tilespmem:$0x1C800] =	vst v63  }
0x37: {  	s5 =	simm.s32 $0x580  }
0x38: {  	[tilespmem:s18], [sflag:$0x1] =	stream.indirect.gather [spmem:s2], $0x80, s5, s17, $0xb8;
	[tilespmem:$0x1C800] =	vst v63  }
0x39: {  	_ =	swait.ge [sflag:s26], $0x4000  }
0x3a: {  	[sflag:s26] =	ssyncset.done $0x0  }
0x3b: {  	s3 =	simm.s32 $0x0;
	[sflag:s26] =	ssyncadd.s32 $0xFFFFC000  }
0x3c: {  	v0 =	vld [tilespmem:s3+$0x4830]  }
0x3d: {  	v1 =	vld [tilespmem:s3+$0x4800]  }
0x3e: {  	v2 =	vld [tilespmem:s3+$0x4810]  }
0x3f: {  	s4 =	simm.s32 $0x200;
	v3 =	vld [tilespmem:s3+$0x4820]  }
.LBB2_4:
0x40: {  	p1 =	sne.s32 s4, $0xFE00  }
.Ltmp1:
0x41: {  	s5 =	sshra.s32 s4, $0x2;
	s4 =	sadd.s32 $0x200, s4;
	[tilespmem:s3+$0x10830] =	vst v0;
	(pc) =	sbr.rel @p1 .LBB2_4-.Ltmp1, $4  }
0x42: {  	v0 =	vld [tilespmem:s5+$0x4830];
	[tilespmem:s3+$0x10800] =	vst v1  }
0x43: {  	v1 =	vld [tilespmem:s5+$0x4800];
	[tilespmem:s3+$0x10810] =	vst v2  }
0x44: {  	v2 =	vld [tilespmem:s5+$0x4810];
	[tilespmem:s3+$0x10820] =	vst v3;
	s3 =	smov.u32 s5  }
0x45: {  	v3 =	vld [tilespmem:s3+$0x4820]  }
0x46: {  	_ = 	snop  }
0x47: {  	[tilespmem:s3+$0x10830] =	vst v0  }
0x48: {  	[tilespmem:s3+$0x10800] =	vst v1  }
0x49: {  	[tilespmem:s3+$0x10810] =	vst v2  }
0x4a: {  	s4 =	simm.s32 $0x0;
	[tilespmem:s3+$0x10820] =	vst v3  }
0x4b: {  	[hbm4b:s6+s4] =	stream.linear.scatter [tilespmem:s28], [sflag:$0x5], $0x4000, $0x38;
	[tilespmem:$0x1C800] =	vst v63  }
0x4c: {  	s5 =	simm.s32 $0x600  }
0x4d: {  	[tilespmem:s20], [sflag:$0x2] =	stream.indirect.gather [spmem:s2], $0x80, s5, s17, $0xb8;
	[tilespmem:$0x1C800] =	vst v63  }
0x4e: {  	_ =	swait.ge [sflag:s30], $0x4000  }
0x4f: {  	[sflag:s30] =	ssyncset.done $0x0  }
0x50: {  	s3 =	simm.s32 $0x0;
	[sflag:s30] =	ssyncadd.s32 $0xFFFFC000  }
0x51: {  	v0 =	vld [tilespmem:s3+$0x8830]  }
0x52: {  	v1 =	vld [tilespmem:s3+$0x8800]  }
0x53: {  	v2 =	vld [tilespmem:s3+$0x8810]  }
0x54: {  	s4 =	simm.s32 $0x200;
	v3 =	vld [tilespmem:s3+$0x8820]  }
.LBB2_6:
0x55: {  	p1 =	sne.s32 s4, $0xFE00  }
.Ltmp2:
0x56: {  	s5 =	sshra.s32 s4, $0x2;
	s4 =	sadd.s32 $0x200, s4;
	[tilespmem:s3+$0x14830] =	vst v0;
	(pc) =	sbr.rel @p1 .LBB2_6-.Ltmp2, $4  }
0x57: {  	v0 =	vld [tilespmem:s5+$0x8830];
	[tilespmem:s3+$0x14800] =	vst v1  }
0x58: {  	v1 =	vld [tilespmem:s5+$0x8800];
	[tilespmem:s3+$0x14810] =	vst v2  }
0x59: {  	v2 =	vld [tilespmem:s5+$0x8810];
	[tilespmem:s3+$0x14820] =	vst v3;
	s3 =	smov.u32 s5  }
0x5a: {  	v3 =	vld [tilespmem:s3+$0x8820]  }
0x5b: {  	_ = 	snop  }
0x5c: {  	[tilespmem:s3+$0x14830] =	vst v0  }
0x5d: {  	[tilespmem:s3+$0x14800] =	vst v1  }
0x5e: {  	[tilespmem:s3+$0x14810] =	vst v2  }
0x5f: {  	s4 =	simm.s32 $0x0;
	[tilespmem:s3+$0x14820] =	vst v3  }
0x60: {  	[hbm4b:s7+s4] =	stream.linear.scatter [tilespmem:s31], [sflag:$0x6], $0x4000, $0x38;
	[tilespmem:$0x1C800] =	vst v63  }
0x61: {  	s5 =	simm.s32 $0x680  }
0x62: {  	[tilespmem:s22], [sflag:$0x3] =	stream.indirect.gather [spmem:s2], $0x80, s5, s17, $0xb8;
	[tilespmem:$0x1C800] =	vst v63  }
0x63: {  	_ =	swait.ge [sflag:s23], $0x4000  }
0x64: {  	[sflag:s23] =	ssyncset.done $0x0  }
0x65: {  	s3 =	simm.s32 $0x0;
	[sflag:s23] =	ssyncadd.s32 $0xFFFFC000  }
0x66: {  	v0 =	vld [tilespmem:s3+$0x830]  }
0x67: {  	v1 =	vld [tilespmem:s3+$0x800]  }
0x68: {  	v2 =	vld [tilespmem:s3+$0x810]  }
0x69: {  	s4 =	simm.s32 $0x200;
	v3 =	vld [tilespmem:s3+$0x820]  }
.LBB2_8:
0x6a: {  	p1 =	sne.s32 s4, $0xFE00  }
.Ltmp3:
0x6b: {  	s5 =	sshra.s32 s4, $0x2;
	s4 =	sadd.s32 $0x200, s4;
	[tilespmem:s3+$0x18830] =	vst v0;
	(pc) =	sbr.rel @p1 .LBB2_8-.Ltmp3, $4  }
0x6c: {  	v0 =	vld [tilespmem:s5+$0x830];
	[tilespmem:s3+$0x18800] =	vst v1  }
0x6d: {  	v1 =	vld [tilespmem:s5+$0x800];
	[tilespmem:s3+$0x18810] =	vst v2  }
0x6e: {  	v2 =	vld [tilespmem:s5+$0x810];
	[tilespmem:s3+$0x18820] =	vst v3;
	s3 =	smov.u32 s5  }
0x6f: {  	v3 =	vld [tilespmem:s3+$0x820]  }
0x70: {  	_ = 	snop  }
0x71: {  	[tilespmem:s3+$0x18830] =	vst v0  }
0x72: {  	[tilespmem:s3+$0x18800] =	vst v1  }
0x73: {  	[tilespmem:s3+$0x18810] =	vst v2  }
0x74: {  	s4 =	simm.s32 $0x0;
	[tilespmem:s3+$0x18820] =	vst v3  }
0x75: {  	[hbm4b:s8+s4] =	stream.linear.scatter [tilespmem:s1], [sflag:$0x7], $0x4000, $0x38;
	[tilespmem:$0x1C800] =	vst v63  }
0x76: {  	s5 =	simm.s32 $0x700  }
0x77: {  	[tilespmem:s18], [sflag:$0x1] =	stream.indirect.gather [spmem:s2], $0x80, s5, s17, $0xb8;
	[tilespmem:$0x1C800] =	vst v63  }
0x78: {  	_ =	swait.ge [sflag:s26], $0x4000  }
0x79: {  	[sflag:s26] =	ssyncset.done $0x0  }
0x7a: {  	[sflag:s26] =	ssyncadd.s32 $0xFFFFC000  }
0x7b: {  	_ =	swait.ge [sflag:s21], $0x4000  }
0x7c: {  	[sflag:s21] =	ssyncset.done $0x0  }
0x7d: {  	s3 =	simm.s32 $0x0;
	[sflag:s21] =	ssyncadd.s32 $0xFFFFC000  }
0x7e: {  	v0 =	vld [tilespmem:s3+$0x4830]  }
0x7f: {  	v1 =	vld [tilespmem:s3+$0x4800]  }
0x80: {  	v2 =	vld [tilespmem:s3+$0x4810]  }
0x81: {  	s4 =	simm.s32 $0x200;
	v3 =	vld [tilespmem:s3+$0x4820]  }
.LBB2_10:
0x82: {  	p1 =	sne.s32 s4, $0xFE00  }
.Ltmp4:
0x83: {  	s5 =	sshra.s32 s4, $0x2;
	s4 =	sadd.s32 $0x200, s4;
	[tilespmem:s3+$0xC830] =	vst v0;
	(pc) =	sbr.rel @p1 .LBB2_10-.Ltmp4, $4  }
0x84: {  	v0 =	vld [tilespmem:s5+$0x4830];
	[tilespmem:s3+$0xC800] =	vst v1  }
0x85: {  	v1 =	vld [tilespmem:s5+$0x4800];
	[tilespmem:s3+$0xC810] =	vst v2  }
0x86: {  	v2 =	vld [tilespmem:s5+$0x4810];
	[tilespmem:s3+$0xC820] =	vst v3;
	s3 =	smov.u32 s5  }
0x87: {  	v3 =	vld [tilespmem:s3+$0x4820]  }
0x88: {  	_ = 	snop  }
0x89: {  	[tilespmem:s3+$0xC830] =	vst v0  }
0x8a: {  	[tilespmem:s3+$0xC800] =	vst v1  }
0x8b: {  	[tilespmem:s3+$0xC810] =	vst v2  }
0x8c: {  	s4 =	simm.s32 $0x0;
	[tilespmem:s3+$0xC820] =	vst v3  }
0x8d: {  	[hbm4b:s9+s4] =	stream.linear.scatter [tilespmem:s24], [sflag:$0x4], $0x4000, $0x38;
	[tilespmem:$0x1C800] =	vst v63  }
0x8e: {  	s5 =	simm.s32 $0x780  }
0x8f: {  	[tilespmem:s20], [sflag:$0x2] =	stream.indirect.gather [spmem:s2], $0x80, s5, s17, $0xb8;
	[tilespmem:$0x1C800] =	vst v63  }
0x90: {  	_ =	swait.ge [sflag:s30], $0x4000  }
0x91: {  	[sflag:s30] =	ssyncset.done $0x0  }
0x92: {  	[sflag:s30] =	ssyncadd.s32 $0xFFFFC000  }
0x93: {  	_ =	swait.ge [sflag:s29], $0x4000  }
0x94: {  	[sflag:s29] =	ssyncset.done $0x0  }
0x95: {  	s3 =	simm.s32 $0x0;
	[sflag:s29] =	ssyncadd.s32 $0xFFFFC000  }
0x96: {  	v0 =	vld [tilespmem:s3+$0x8830]  }
0x97: {  	v1 =	vld [tilespmem:s3+$0x8800]  }
0x98: {  	v2 =	vld [tilespmem:s3+$0x8810]  }
0x99: {  	s4 =	simm.s32 $0x200;
	v3 =	vld [tilespmem:s3+$0x8820]  }
.LBB2_12:
0x9a: {  	p1 =	sne.s32 s4, $0xFE00  }
.Ltmp5:
0x9b: {  	s5 =	sshra.s32 s4, $0x2;
	s4 =	sadd.s32 $0x200, s4;
	[tilespmem:s3+$0x10830] =	vst v0;
	(pc) =	sbr.rel @p1 .LBB2_12-.Ltmp5, $4  }
0x9c: {  	v0 =	vld [tilespmem:s5+$0x8830];
	[tilespmem:s3+$0x10800] =	vst v1  }
0x9d: {  	v1 =	vld [tilespmem:s5+$0x8800];
	[tilespmem:s3+$0x10810] =	vst v2  }
0x9e: {  	v2 =	vld [tilespmem:s5+$0x8810];
	[tilespmem:s3+$0x10820] =	vst v3;
	s3 =	smov.u32 s5  }
0x9f: {  	v3 =	vld [tilespmem:s3+$0x8820]  }
0xa0: {  	_ = 	snop  }
0xa1: {  	[tilespmem:s3+$0x10830] =	vst v0  }
0xa2: {  	[tilespmem:s3+$0x10800] =	vst v1  }
0xa3: {  	[tilespmem:s3+$0x10810] =	vst v2  }
0xa4: {  	s5 =	simm.s32 $0x0;
	[tilespmem:s3+$0x10820] =	vst v3  }
0xa5: {  	[hbm4b:s10+s5] =	stream.linear.scatter [tilespmem:s28], [sflag:$0x5], $0x4000, $0x38;
	[tilespmem:$0x1C800] =	vst v63  }
0xa6: {  	_ =	swait.ge [sflag:s23], $0x4000  }
0xa7: {  	[sflag:s23] =	ssyncset.done $0x0  }
0xa8: {  	[sflag:s23] =	ssyncadd.s32 $0xFFFFC000  }
0xa9: {  	_ =	swait.ge [sflag:s0], $0x4000  }
0xaa: {  	[sflag:s0] =	ssyncset.done $0x0  }
0xab: {  	s3 =	simm.s32 $0x0;
	[sflag:s0] =	ssyncadd.s32 $0xFFFFC000  }
0xac: {  	v0 =	vld [tilespmem:s3+$0x830]  }
0xad: {  	v1 =	vld [tilespmem:s3+$0x800]  }
0xae: {  	v2 =	vld [tilespmem:s3+$0x810]  }
0xaf: {  	s4 =	simm.s32 $0x200;
	v3 =	vld [tilespmem:s3+$0x820]  }
.LBB2_14:
0xb0: {  	p1 =	sne.s32 s4, $0xFE00  }
.Ltmp6:
0xb1: {  	s5 =	sshra.s32 s4, $0x2;
	s4 =	sadd.s32 $0x200, s4;
	[tilespmem:s3+$0x14830] =	vst v0;
	(pc) =	sbr.rel @p1 .LBB2_14-.Ltmp6, $4  }
0xb2: {  	v0 =	vld [tilespmem:s5+$0x830];
	[tilespmem:s3+$0x14800] =	vst v1  }
0xb3: {  	v1 =	vld [tilespmem:s5+$0x800];
	[tilespmem:s3+$0x14810] =	vst v2  }
0xb4: {  	v2 =	vld [tilespmem:s5+$0x810];
	[tilespmem:s3+$0x14820] =	vst v3;
	s3 =	smov.u32 s5  }
0xb5: {  	v3 =	vld [tilespmem:s3+$0x820]  }
0xb6: {  	_ = 	snop  }
0xb7: {  	[tilespmem:s3+$0x14830] =	vst v0  }
0xb8: {  	[tilespmem:s3+$0x14800] =	vst v1  }
0xb9: {  	[tilespmem:s3+$0x14810] =	vst v2  }
0xba: {  	s5 =	simm.s32 $0x0;
	[tilespmem:s3+$0x14820] =	vst v3  }
0xbb: {  	[hbm4b:s11+s5] =	stream.linear.scatter [tilespmem:s31], [sflag:$0x6], $0x4000, $0x38;
	[tilespmem:$0x1C800] =	vst v63  }
0xbc: {  	_ =	swait.ge [sflag:s26], $0x4000  }
0xbd: {  	[sflag:s26] =	ssyncset.done $0x0  }
0xbe: {  	[sflag:s26] =	ssyncadd.s32 $0xFFFFC000  }
0xbf: {  	_ =	swait.ge [sflag:s19], $0x4000  }
0xc0: {  	[sflag:s19] =	ssyncset.done $0x0  }
0xc1: {  	s3 =	simm.s32 $0x0;
	[sflag:s19] =	ssyncadd.s32 $0xFFFFC000  }
0xc2: {  	v0 =	vld [tilespmem:s3+$0x4830]  }
0xc3: {  	v1 =	vld [tilespmem:s3+$0x4800]  }
0xc4: {  	v2 =	vld [tilespmem:s3+$0x4810]  }
0xc5: {  	s4 =	simm.s32 $0x200;
	v3 =	vld [tilespmem:s3+$0x4820]  }
.LBB2_16:
0xc6: {  	p1 =	sne.s32 s4, $0xFE00  }
.Ltmp7:
0xc7: {  	s5 =	sshra.s32 s4, $0x2;
	s4 =	sadd.s32 $0x200, s4;
	[tilespmem:s3+$0x18830] =	vst v0;
	(pc) =	sbr.rel @p1 .LBB2_16-.Ltmp7, $4  }
0xc8: {  	v0 =	vld [tilespmem:s5+$0x4830];
	[tilespmem:s3+$0x18800] =	vst v1  }
0xc9: {  	v1 =	vld [tilespmem:s5+$0x4800];
	[tilespmem:s3+$0x18810] =	vst v2  }
0xca: {  	v2 =	vld [tilespmem:s5+$0x4810];
	[tilespmem:s3+$0x18820] =	vst v3;
	s3 =	smov.u32 s5  }
0xcb: {  	v3 =	vld [tilespmem:s3+$0x4820]  }
0xcc: {  	_ = 	snop  }
0xcd: {  	[tilespmem:s3+$0x18830] =	vst v0  }
0xce: {  	[tilespmem:s3+$0x18800] =	vst v1  }
0xcf: {  	[tilespmem:s3+$0x18810] =	vst v2  }
0xd0: {  	s5 =	simm.s32 $0x0;
	[tilespmem:s3+$0x18820] =	vst v3  }
0xd1: {  	[hbm4b:s12+s5] =	stream.linear.scatter [tilespmem:s1], [sflag:$0x7], $0x4000, $0x38;
	[tilespmem:$0x1C800] =	vst v63  }
0xd2: {  	_ =	swait.ge [sflag:s21], $0x4000  }
0xd3: {  	[sflag:s21] =	ssyncset.done $0x0  }
0xd4: {  	[sflag:s21] =	ssyncadd.s32 $0xFFFFC000  }
0xd5: {  	_ =	swait.ge [sflag:s29], $0x4000  }
0xd6: {  	[sflag:s29] =	ssyncset.done $0x0  }
0xd7: {  	s25 =	sadd.s32 $0x1, s25;
	[sflag:s29] =	ssyncadd.s32 $0xFFFFC000  }
0xd8: {  	p1 =	sne.s32 s25, s13;
	_ =	swait.ge [sflag:s0], $0x4000  }
.Ltmp8:
0xd9: {  	[sflag:s0] =	ssyncset.done $0x0;
	(pc) =	sbr.rel @p1 .LBB2_1-.Ltmp8, $4  }
0xda: {  	[sflag:s0] =	ssyncadd.s32 $0xFFFFC000  }
0xdb: {  	_ =	swait.ge [sflag:s19], $0x4000  }
0xdc: {  	[sflag:s19] =	ssyncset.done $0x0  }
0xdd: {  	[sflag:s19] =	ssyncadd.s32 $0xFFFFC000  }
0xde: {  	_ =	sfence.sel $0x180000  }
0xdf: {  	[bflag:$0x0] =	sbarrier.arrive $0xFFFF  }
0xe0: {  	_ =	strace $0x90000047  }
0xe1: {  	[bflag:$0x2] =	sbarrier.arrive $0xFFFF  }
0xe2: {  	s0 =	rddreg [dreg:$0x4]  }
0xe3: {  	s0 =	sadd.s32 @!p0 $0x100000, s0  }
0xe4: {  	[sflag:s0] =	ssyncadd.tile.s32 @!p0 $0x1;
	_ =	shalt  }
.Lfunc_end2:
_tile_overlayer_lowered:
.L_overlay_start_2:
0xe5: {  	(tag) =	ssettag $0x2  }
0xe6: {  	s0 =	rddreg [dreg:$0x0];
	s2 =	stileid.u32  }
0xe7: {  	s1 =	rddreg [dreg:$0x1];
	p0 =	sne.s32 s2, $0x0  }
0xe8: {  	s3 =	rddreg [dreg:$0x2];
	[bflag:$0x3] =	sbarrier.arrive $0xFFFF;
	s2 =	simm.s32 @!p0 $0x1C08  }
0xe9: {  	[timem:s3], [sflag:s2] =	dma.local @!p0 [hbm:s0], s1  }
0xea: {  	s0 =	simm.s32 @!p0 $0x8  }
0xeb: {  	_ =	swait.ge @!p0 [sflag:s0], s1  }
0xec: {  	s1 =	ssub.s32 @!p0 $0x0, s1;
	[sflag:s0] =	ssyncset.done @!p0 $0x0  }
0xed: {  	[sflag:s0] =	ssyncadd.s32 @!p0 s1  }
0xee: {  	[bflag:$0x3] =	sbarrier.arrive $0xFFFF  }
0xef: {  	_ =	shalt  }

</sc_bundles>
